<compile_context>
chip_gen: v7x
topology: tpu7x:2x2x1
jax: 0.10.2.dev20260603
libtpu: 0.0.44.dev20260713+nightly
codegen_flags: <defaults>
</compile_context>

<pallas_src>
import functools

import jax
import jax.numpy as jnp
from jax import lax
from jax.experimental import pallas as pl
from jax.experimental.pallas import tpu as pltpu
from jax.experimental.pallas import tpu_sc as plsc

N = 10000
E = 320000
D_IN = 128
DH = 16
NC = 2
NS = 16
NW = NC * NS
CHUNK = 128
ER = 2 * E // CHUNK
CB = 78
DROW = E // CHUNK
N_ACC = 10112
RPT = N_ACC // NS
PK = 8
NP = N // PK
NAP = N_ACC // PK

_mesh = plsc.VectorSubcoreMesh(core_axis_name="c", subcore_axis_name="s")
_acc_ty = jax.ShapeDtypeStruct((NC, N_ACC, DH), jnp.float32)
_sc_params = pltpu.CompilerParams(use_tc_tiling_on_sc=False)


@functools.partial(
    pl.kernel,
    out_type=_acc_ty,
    mesh=_mesh,
    scratch_types=[
        pltpu.VMEM((CB + 1, CHUNK), jnp.int32),
        pltpu.VMEM((CHUNK, DH), jnp.float32),
        pltpu.VMEM_SHARED((N_ACC, DH), jnp.float32),
        pltpu.SemaphoreType.DMA,
        pltpu.SemaphoreType.DMA,
    ],
    compiler_params=_sc_params,
)
def _sc_degree(e_hbm, ones_hbm, zeros_hbm, out_hbm, dst_v, ones_v, acc,
               ss0, ss1):
    cid = lax.axis_index("c")
    sid = lax.axis_index("s")
    wid = sid * NC + cid
    r0 = sid * RPT
    pltpu.sync_copy(zeros_hbm.at[pl.ds(r0, RPT)], acc.at[pl.ds(r0, RPT)])
    pltpu.sync_copy(e_hbm.at[pl.ds(DROW + wid * CB, CB)],
                    dst_v.at[pl.ds(0, CB)])

    @pl.when(wid < 4)
    def _():
        pltpu.sync_copy(e_hbm.at[pl.ds(DROW + NW * CB + wid, 1)],
                        dst_v.at[pl.ds(CB, 1)])

    pltpu.sync_copy(ones_hbm, ones_v)
    plsc.subcore_barrier()

    sems = (ss0, ss1)
    for b in range(2):
        pltpu.async_copy(ones_v, acc.at[dst_v.at[b]], sems[b], add=True)

    def body(i, carry):
        j0 = 2 * i
        for b in range(2):
            j = j0 + b
            pltpu.make_async_copy(
                ones_v, acc.at[dst_v.at[j - 2]], sems[b]).wait()
            pltpu.async_copy(ones_v, acc.at[dst_v.at[j]], sems[b], add=True)
        return carry

    lax.fori_loop(1, CB // 2, body, 0)
    for b in range(2):
        pltpu.make_async_copy(
            ones_v, acc.at[dst_v.at[CB - 2 + b]], sems[b]).wait()

    @pl.when(wid < 4)
    def _():
        pltpu.sync_copy(ones_v, acc.at[dst_v.at[CB]], add=True)

    plsc.subcore_barrier()
    pltpu.sync_copy(acc.at[pl.ds(r0, RPT)], out_hbm.at[cid, pl.ds(r0, RPT)])


@functools.partial(
    pl.kernel,
    out_type=_acc_ty,
    mesh=_mesh,
    scratch_types=[
        pltpu.VMEM((CB + 1, CHUNK), jnp.int32),
        pltpu.VMEM((CB + 1, CHUNK), jnp.int32),
        pltpu.VMEM((2, CHUNK, DH), jnp.float32),
        pltpu.VMEM_SHARED((N_ACC, DH), jnp.float32),
        pltpu.VMEM_SHARED((N_ACC, DH), jnp.float32),
        pltpu.SemaphoreType.DMA,
        pltpu.SemaphoreType.DMA,
    ],
    compiler_params=_sc_params,
)
def _sc_aggregate(g_hbm, e_hbm, zeros_hbm, out_hbm,
                  src_v, dst_v, rows2, g_sp, acc, ss0, ss1):
    cid = lax.axis_index("c")
    sid = lax.axis_index("s")
    wid = sid * NC + cid
    r0 = sid * RPT
    pltpu.sync_copy(zeros_hbm.at[pl.ds(r0, RPT)], acc.at[pl.ds(r0, RPT)])
    pltpu.sync_copy(g_hbm.at[pl.ds(r0, RPT)], g_sp.at[pl.ds(r0, RPT)])
    pltpu.sync_copy(e_hbm.at[pl.ds(wid * CB, CB)], src_v.at[pl.ds(0, CB)])
    pltpu.sync_copy(e_hbm.at[pl.ds(DROW + wid * CB, CB)],
                    dst_v.at[pl.ds(0, CB)])

    @pl.when(wid < 4)
    def _():
        pltpu.sync_copy(e_hbm.at[pl.ds(NW * CB + wid, 1)],
                        src_v.at[pl.ds(CB, 1)])
        pltpu.sync_copy(e_hbm.at[pl.ds(DROW + NW * CB + wid, 1)],
                        dst_v.at[pl.ds(CB, 1)])

    plsc.subcore_barrier()

    sems = (ss0, ss1)
    for b in range(2):
        pltpu.sync_copy(g_sp.at[src_v.at[b]], rows2.at[b])
        pltpu.async_copy(rows2.at[b], acc.at[dst_v.at[b]], sems[b], add=True)

    def body(i, carry):
        j0 = 2 * i
        for b in range(2):
            j = j0 + b
            pltpu.make_async_copy(
                rows2.at[b], acc.at[dst_v.at[j - 2]], sems[b]).wait()
            pltpu.sync_copy(g_sp.at[src_v.at[j]], rows2.at[b])
            pltpu.async_copy(rows2.at[b], acc.at[dst_v.at[j]], sems[b],
                             add=True)
        return carry

    lax.fori_loop(1, CB // 2, body, 0)
    for b in range(2):
        pltpu.make_async_copy(
            rows2.at[b], acc.at[dst_v.at[CB - 2 + b]], sems[b]).wait()

    @pl.when(wid < 4)
    def _():
        pltpu.sync_copy(g_sp.at[src_v.at[CB]], rows2.at[0])
        pltpu.sync_copy(rows2.at[0], acc.at[dst_v.at[CB]], add=True)

    plsc.subcore_barrier()
    pltpu.sync_copy(acc.at[pl.ds(r0, RPT)], out_hbm.at[cid, pl.ds(r0, RPT)])


def _scale_body(xr_ref, w1b_ref, degp_ref, dinv_ref, g_ref):
    h_p = jnp.dot(xr_ref[...], w1b_ref[...],
                  preferred_element_type=jnp.float32)
    deg = degp_ref[:NAP, :] + degp_ref[NAP:, :] + 1.0
    dinv = lax.rsqrt(deg)
    dinv_ref[...] = dinv
    g_ref[:NP, :] = h_p * dinv[:NP, :]


def _mid_body(aggp_ref, g1_ref, dinv_ref, b1_ref, w2b_ref, g2_ref):
    s = aggp_ref[:NAP, :] + aggp_ref[NAP:, :] + g1_ref[...]
    a1 = dinv_ref[...] * s + b1_ref[...]
    h = jnp.maximum(a1, 0.0)
    h2 = jnp.dot(h, w2b_ref[...], preferred_element_type=jnp.float32)
    g2_ref[:NP, :] = (h2 * dinv_ref[...])[:NP, :]


def _out_body(aggp_ref, g2_ref, dinv_ref, b2_ref, sb_ref, o_ref):
    s = (aggp_ref[:NP, :] + aggp_ref[NAP:NAP + NP, :] + g2_ref[:NP, :])
    a = dinv_ref[:NP, :] * s + b2_ref[...]
    lanes = lax.broadcasted_iota(jnp.int32, (NP, 128), 1)
    m = a
    for k in (1, 2, 4, 8):
        up = jnp.roll(m, -k, axis=1)
        dn = jnp.roll(m, k, axis=1)
        m = jnp.maximum(m, jnp.where((lanes & k) == 0, up, dn))
    z = a - m
    ez = jnp.exp(z)
    gs = jnp.dot(ez, sb_ref[...], preferred_element_type=jnp.float32)
    o_ref[...] = z - jnp.log(gs)


_f32 = jnp.float32


def kernel(x, edge_index, W1, b1, W2, b2):
    e2 = edge_index.astype(jnp.int32).reshape(ER, CHUNK)
    zeros_acc = jnp.zeros((N_ACC, DH), _f32)
    ones_blk = jnp.ones((CHUNK, DH), _f32)
    W1B = jnp.kron(jnp.eye(PK, dtype=_f32), W1)
    W2B = jnp.kron(jnp.eye(PK, dtype=_f32), W2)
    SB = jnp.kron(jnp.eye(PK, dtype=_f32), jnp.ones((DH, DH), _f32))
    b1B = jnp.tile(b1, (PK,)).reshape(1, 128)
    b2B = jnp.tile(b2, (PK,)).reshape(1, 128)
    x_r = x.reshape(NP, PK * D_IN)

    degp = _sc_degree(e2, ones_blk, zeros_acc)
    degp_p = degp.reshape(NC * NAP, 128)

    dinv_p, g1_p = pl.pallas_call(
        _scale_body,
        out_shape=(jax.ShapeDtypeStruct((NAP, 128), _f32),
                   jax.ShapeDtypeStruct((NAP, 128), _f32)),
    )(x_r, W1B, degp_p)

    aggp1 = _sc_aggregate(g1_p.reshape(N_ACC, DH), e2, zeros_acc)

    g2_p = pl.pallas_call(
        _mid_body,
        out_shape=jax.ShapeDtypeStruct((NAP, 128), _f32),
    )(aggp1.reshape(NC * NAP, 128), g1_p, dinv_p, b1B, W2B)

    aggp2 = _sc_aggregate(g2_p.reshape(N_ACC, DH), e2, zeros_acc)

    out_p = pl.pallas_call(
        _out_body,
        out_shape=jax.ShapeDtypeStruct((NP, 128), _f32),
    )(aggp2.reshape(NC * NAP, 128), g2_p, dinv_p, b2B, SB)

    return out_p.reshape(N, DH)

# --- scband reference (transcript-rebuilt; emitter-appended) ---
"""Pipeline reference for scband-gnn-17025250361854 (READ-ONLY COPY).

The authoritative reference and input builder live on the scoring server;
editing this copy changes nothing except your own understanding.
"""

import jax, jax.numpy as jnp
import numpy as np

NUM_NODES = 10000
NUM_EDGES = 320000
D_IN = 128
D_HID = 16
D_OUT = 16


def setup_inputs(seed: int = 0) -> dict:
    key = jax.random.key(seed)
    k1, k2, k3, k4, k5, k6 = jax.random.split(key, 6)
    x = jax.random.normal(k1, (NUM_NODES, D_IN), dtype=jnp.float32)
    edge_index = jax.random.randint(k2, (2, NUM_EDGES), 0, NUM_NODES, dtype=jnp.int64)
    # GCNConv weights (glorot-like init) and zero biases, per torch_geometric GCNConv
    W1 = jax.random.normal(k3, (D_IN, D_HID), dtype=jnp.float32) * (1.0 / np.sqrt(D_IN))
    b1 = jnp.zeros((D_HID,), dtype=jnp.float32)
    W2 = jax.random.normal(k4, (D_HID, D_OUT), dtype=jnp.float32) * (1.0 / np.sqrt(D_HID))
    b2 = jnp.zeros((D_OUT,), dtype=jnp.float32)
    return {"x": x, "edge_index": edge_index, "W1": W1, "b1": b1, "W2": W2, "b2": b2}


def _gcn_conv(x, edge_index, W, b):
    # GCNConv: D^{-1/2} (A + I) D^{-1/2} X W + b, with self-loops added
    n = x.shape[0]
    loop = jnp.arange(n, dtype=edge_index.dtype)
    src = jnp.concatenate([edge_index[0], loop])
    dst = jnp.concatenate([edge_index[1], loop])
    h = x @ W
    ones = jnp.ones(src.shape[0], dtype=h.dtype)
    deg = jax.ops.segment_sum(ones, dst, num_segments=n)
    dinv = jnp.where(deg > 0, jax.lax.rsqrt(deg), 0.0)
    norm = dinv[src] * dinv[dst]
    msgs = h[src] * norm[:, None]
    out = jax.ops.segment_sum(msgs, dst, num_segments=n)
    return out + b


def reference(x, edge_index, W1, b1, W2, b2):
    h = _gcn_conv(x, edge_index, W1, b1)
    h = jax.nn.relu(h)
    # dropout is a no-op in eval mode (F.dropout(training=False))
    h = _gcn_conv(h, edge_index, W2, b2)
    return jax.nn.log_softmax(h, axis=1)

if __name__ == "__main__":
    import jax
    _d = setup_inputs()
    print(jax.jit(kernel)(*tuple(_d.values())))

</pallas_src>

<mosaic_0001>
#map = affine_map<(d0, d1) -> (0, 0)>
#map1 = affine_map<(d0, d1) -> (0, 0, 0)>
module attributes {stable_mosaic.version = 14 : i64} {
  func.func @_sc_degree(%arg0: i32, %arg1: i32, %arg2: memref<5000x128xi32, #tpu.memory_space<hbm>>, %arg3: memref<128x16xf32, #tpu.memory_space<hbm>>, %arg4: memref<10112x16xf32, #tpu.memory_space<hbm>>, %arg5: memref<2x10112x16xf32, #tpu.memory_space<hbm>>, %arg6: memref<79x128xi32, #tpu.memory_space<vmem>>, %arg7: memref<128x16xf32, #tpu.memory_space<vmem>>, %arg8: memref<10112x16xf32, #tpu.memory_space<vmem_shared>>, %arg9: memref<!tpu.dma_semaphore, #tpu.memory_space<semaphore_mem>>, %arg10: memref<!tpu.dma_semaphore, #tpu.memory_space<semaphore_mem>>) attributes {dimension_semantics = [#tpu.dimension_semantics<core_parallel>, #tpu.dimension_semantics<subcore_parallel>], iteration_bounds = array<i64: 2, 16>, scalar_prefetch = 0 : i64, scratch_operands = 5 : i64, tpu.core_type = #tpu.core_type<sc_vector_subcore>, window_params = [{transform_indices = #map}, {transform_indices = #map}, {transform_indices = #map}, {transform_indices = #map1}]} {
    %mul3A = arith.constant 2 : i32
    %mul3A_0 = arith.muli %arg1, %mul3A : i32
    %add3A = arith.addi %mul3A_0, %arg0 : i32
    %mul3A_1 = arith.constant 632 : i32
    %mul3A_2 = arith.muli %arg1, %mul3A_1 : i32
    "tpu.region"() ({
      %run_scoped3A = tpu.sem_alloc : memref<!tpu.dma_semaphore, #tpu.memory_space<semaphore_mem>>
      %dma_start3A_46 = arith.constant 0 : i32
      %dma_start3A_47 = tpu.memref_slice %arg8[%mul3A_2, %dma_start3A_46] : memref<10112x16xf32, #tpu.memory_space<vmem_shared>> -> memref<632x16xf32, #tpu.memory_space<vmem_shared>>
      %dma_start3A_48 = arith.constant 0 : i32
      %dma_start3A_49 = tpu.memref_slice %arg4[%mul3A_2, %dma_start3A_48] : memref<10112x16xf32, #tpu.memory_space<hbm>> -> memref<632x16xf32, #tpu.memory_space<hbm>>
      tpu.enqueue_dma source(%dma_start3A_49 : memref<632x16xf32, #tpu.memory_space<hbm>>) target(%dma_start3A_47 : memref<632x16xf32, #tpu.memory_space<vmem_shared>>) target_semaphore(%run_scoped3A : memref<!tpu.dma_semaphore, #tpu.memory_space<semaphore_mem>>)
      %dma_wait3A_50 = arith.constant 0 : i32
      %dma_wait3A_51 = tpu.memref_slice %arg8[%mul3A_2, %dma_wait3A_50] : memref<10112x16xf32, #tpu.memory_space<vmem_shared>> -> memref<632x16xf32, #tpu.memory_space<vmem_shared>>
      %dma_wait3A_52 = arith.constant 0 : i32
      %dma_wait3A_53 = tpu.memref_slice %arg4[%mul3A_2, %dma_wait3A_52] : memref<10112x16xf32, #tpu.memory_space<hbm>> -> memref<632x16xf32, #tpu.memory_space<hbm>>
      tpu.wait_dma2 semaphore(%run_scoped3A : memref<!tpu.dma_semaphore, #tpu.memory_space<semaphore_mem>>) src(%dma_wait3A_53 : memref<632x16xf32, #tpu.memory_space<hbm>>) dst(%dma_wait3A_51 : memref<632x16xf32, #tpu.memory_space<vmem_shared>>)
      tpu.yield
    }) : () -> ()
    %mul3A_3 = arith.constant 78 : i32
    %mul3A_4 = arith.muli %add3A, %mul3A_3 : i32
    %add3A_5 = arith.constant 2500 : i32
    %add3A_6 = arith.addi %add3A_5, %mul3A_4 : i32
    "tpu.region"() ({
      %run_scoped3A = tpu.sem_alloc : memref<!tpu.dma_semaphore, #tpu.memory_space<semaphore_mem>>
      %dma_start3A_46 = arith.constant 0 : i32
      %dma_start3A_47 = arith.constant 0 : i32
      %dma_start3A_48 = tpu.memref_slice %arg6[%dma_start3A_46, %dma_start3A_47] : memref<79x128xi32, #tpu.memory_space<vmem>> -> memref<78x128xi32, #tpu.memory_space<vmem>>
      %dma_start3A_49 = arith.constant 0 : i32
      %dma_start3A_50 = tpu.memref_slice %arg2[%add3A_6, %dma_start3A_49] : memref<5000x128xi32, #tpu.memory_space<hbm>> -> memref<78x128xi32, #tpu.memory_space<hbm>>
      %dma_start3A_51 = arith.constant 0 : i32
      %dma_start3A_52 = arith.constant 0 : i32
      %dma_start3A_53 = tpu.memref_slice %arg6[%dma_start3A_51, %dma_start3A_52] : memref<79x128xi32, #tpu.memory_space<vmem>> -> memref<78x128xi32, #tpu.memory_space<vmem>>
      %dma_start3A_54 = arith.constant 0 : i32
      %dma_start3A_55 = tpu.memref_slice %arg2[%add3A_6, %dma_start3A_54] : memref<5000x128xi32, #tpu.memory_space<hbm>> -> memref<78x128xi32, #tpu.memory_space<hbm>>
      tpu.enqueue_dma source(%dma_start3A_55 : memref<78x128xi32, #tpu.memory_space<hbm>>) target(%dma_start3A_53 : memref<78x128xi32, #tpu.memory_space<vmem>>) target_semaphore(%run_scoped3A : memref<!tpu.dma_semaphore, #tpu.memory_space<semaphore_mem>>)
      %dma_wait3A_56 = arith.constant 0 : i32
      %dma_wait3A_57 = arith.constant 0 : i32
      %dma_wait3A_58 = tpu.memref_slice %arg6[%dma_wait3A_56, %dma_wait3A_57] : memref<79x128xi32, #tpu.memory_space<vmem>> -> memref<78x128xi32, #tpu.memory_space<vmem>>
      %dma_wait3A_59 = arith.constant 0 : i32
      %dma_wait3A_60 = tpu.memref_slice %arg2[%add3A_6, %dma_wait3A_59] : memref<5000x128xi32, #tpu.memory_space<hbm>> -> memref<78x128xi32, #tpu.memory_space<hbm>>
      %dma_wait3A_61 = arith.constant 0 : i32
      %dma_wait3A_62 = arith.constant 0 : i32
      %dma_wait3A_63 = tpu.memref_slice %arg6[%dma_wait3A_61, %dma_wait3A_62] : memref<79x128xi32, #tpu.memory_space<vmem>> -> memref<78x128xi32, #tpu.memory_space<vmem>>
      %dma_wait3A_64 = arith.constant 0 : i32
      %dma_wait3A_65 = tpu.memref_slice %arg2[%add3A_6, %dma_wait3A_64] : memref<5000x128xi32, #tpu.memory_space<hbm>> -> memref<78x128xi32, #tpu.memory_space<hbm>>
      tpu.wait_dma2 semaphore(%run_scoped3A : memref<!tpu.dma_semaphore, #tpu.memory_space<semaphore_mem>>) src(%dma_wait3A_65 : memref<78x128xi32, #tpu.memory_space<hbm>>) dst(%dma_wait3A_63 : memref<78x128xi32, #tpu.memory_space<vmem>>)
      tpu.yield
    }) : () -> ()
    %lt3A = arith.constant 4 : i32
    %lt3A_7 = arith.cmpi slt, %add3A, %lt3A : i32
    %convert_element_type3A = arith.extui %lt3A_7 : i1 to i32
    %cond3A = arith.constant 0 : i32
    %cond3A_8 = arith.cmpi ne, %convert_element_type3A, %cond3A : i32
    scf.if %cond3A_8 {
      %add3A_46 = arith.constant 4996 : i32
      %add3A_47 = arith.addi %add3A_46, %add3A : i32
      "tpu.region"() ({
        %run_scoped3A = tpu.sem_alloc : memref<!tpu.dma_semaphore, #tpu.memory_space<semaphore_mem>>
        %dma_start3A_48 = arith.constant 78 : i32
        %dma_start3A_49 = arith.constant 0 : i32
        %dma_start3A_50 = tpu.memref_slice %arg6[%dma_start3A_48, %dma_start3A_49] : memref<79x128xi32, #tpu.memory_space<vmem>> -> memref<1x128xi32, #tpu.memory_space<vmem>>
        %dma_start3A_51 = arith.constant 0 : i32
        %dma_start3A_52 = tpu.memref_slice %arg2[%add3A_47, %dma_start3A_51] : memref<5000x128xi32, #tpu.memory_space<hbm>> -> memref<1x128xi32, #tpu.memory_space<hbm>>
        %dma_start3A_53 = arith.constant 78 : i32
        %dma_start3A_54 = arith.constant 0 : i32
        %dma_start3A_55 = tpu.memref_slice %arg6[%dma_start3A_53, %dma_start3A_54] : memref<79x128xi32, #tpu.memory_space<vmem>> -> memref<1x128xi32, #tpu.memory_space<vmem>>
        %dma_start3A_56 = arith.constant 0 : i32
        %dma_start3A_57 = tpu.memref_slice %arg2[%add3A_47, %dma_start3A_56] : memref<5000x128xi32, #tpu.memory_space<hbm>> -> memref<1x128xi32, #tpu.memory_space<hbm>>
        tpu.enqueue_dma source(%dma_start3A_57 : memref<1x128xi32, #tpu.memory_space<hbm>>) target(%dma_start3A_55 : memref<1x128xi32, #tpu.memory_space<vmem>>) target_semaphore(%run_scoped3A : memref<!tpu.dma_semaphore, #tpu.memory_space<semaphore_mem>>)
        %dma_wait3A_58 = arith.constant 78 : i32
        %dma_wait3A_59 = arith.constant 0 : i32
        %dma_wait3A_60 = tpu.memref_slice %arg6[%dma_wait3A_58, %dma_wait3A_59] : memref<79x128xi32, #tpu.memory_space<vmem>> -> memref<1x128xi32, #tpu.memory_space<vmem>>
        %dma_wait3A_61 = arith.constant 0 : i32
        %dma_wait3A_62 = tpu.memref_slice %arg2[%add3A_47, %dma_wait3A_61] : memref<5000x128xi32, #tpu.memory_space<hbm>> -> memref<1x128xi32, #tpu.memory_space<hbm>>
        %dma_wait3A_63 = arith.constant 78 : i32
        %dma_wait3A_64 = arith.constant 0 : i32
        %dma_wait3A_65 = tpu.memref_slice %arg6[%dma_wait3A_63, %dma_wait3A_64] : memref<79x128xi32, #tpu.memory_space<vmem>> -> memref<1x128xi32, #tpu.memory_space<vmem>>
        %dma_wait3A_66 = arith.constant 0 : i32
        %dma_wait3A_67 = tpu.memref_slice %arg2[%add3A_47, %dma_wait3A_66] : memref<5000x128xi32, #tpu.memory_space<hbm>> -> memref<1x128xi32, #tpu.memory_space<hbm>>
        tpu.wait_dma2 semaphore(%run_scoped3A : memref<!tpu.dma_semaphore, #tpu.memory_space<semaphore_mem>>) src(%dma_wait3A_67 : memref<1x128xi32, #tpu.memory_space<hbm>>) dst(%dma_wait3A_65 : memref<1x128xi32, #tpu.memory_space<vmem>>)
        tpu.yield
      }) : () -> ()
    } else {
    }
    "tpu.region"() ({
      %run_scoped3A = tpu.sem_alloc : memref<!tpu.dma_semaphore, #tpu.memory_space<semaphore_mem>>
      tpu.enqueue_dma source(%arg3 : memref<128x16xf32, #tpu.memory_space<hbm>>) target(%arg7 : memref<128x16xf32, #tpu.memory_space<vmem>>) target_semaphore(%run_scoped3A : memref<!tpu.dma_semaphore, #tpu.memory_space<semaphore_mem>>)
      tpu.wait_dma2 semaphore(%run_scoped3A : memref<!tpu.dma_semaphore, #tpu.memory_space<semaphore_mem>>) src(%arg3 : memref<128x16xf32, #tpu.memory_space<hbm>>) dst(%arg7 : memref<128x16xf32, #tpu.memory_space<vmem>>)
      tpu.yield
    }) : () -> ()
    %barrier3A = arith.constant 0 : index
    tpu.barrier barrier_id(%barrier3A)
    %dma_start3A = arith.constant 0 : i32
    %dma_start3A_9 = arith.constant 0 : i32
    %dma_start3A_10 = tpu.memref_slice %arg6[%dma_start3A, %dma_start3A_9] : memref<79x128xi32, #tpu.memory_space<vmem>> -> memref<1x128xi32, #tpu.memory_space<vmem>>
    %dma_start3A_11 = tpu.memref_squeeze %dma_start3A_10 : memref<1x128xi32, #tpu.memory_space<vmem>> -> memref<128xi32, #tpu.memory_space<vmem>>
    %dma_start3A_12 = arith.constant 0 : i32
    %dma_start3A_13 = arith.constant 0 : i32
    %dma_start3A_14 = tpu.memref_slice %arg8[%dma_start3A_12, %dma_start3A_13] : memref<10112x16xf32, #tpu.memory_space<vmem_shared>> -> memref<10112x16xf32, #tpu.memory_space<vmem_shared>>
    tpu.enqueue_indirect_dma source(%arg7 : memref<128x16xf32, #tpu.memory_space<vmem>>) target(%dma_start3A_14 : memref<10112x16xf32, #tpu.memory_space<vmem_shared>>) offsets(%dma_start3A_11 : memref<128xi32, #tpu.memory_space<vmem>>) semaphore(%arg9 : memref<!tpu.dma_semaphore, #tpu.memory_space<semaphore_mem>>) {add = true}
    %dma_start3A_15 = arith.constant 1 : i32
    %dma_start3A_16 = arith.constant 0 : i32
    %dma_start3A_17 = tpu.memref_slice %arg6[%dma_start3A_15, %dma_start3A_16] : memref<79x128xi32, #tpu.memory_space<vmem>> -> memref<1x128xi32, #tpu.memory_space<vmem>>
    %dma_start3A_18 = tpu.memref_squeeze %dma_start3A_17 : memref<1x128xi32, #tpu.memory_space<vmem>> -> memref<128xi32, #tpu.memory_space<vmem>>
    %dma_start3A_19 = arith.constant 0 : i32
    %dma_start3A_20 = arith.constant 0 : i32
    %dma_start3A_21 = tpu.memref_slice %arg8[%dma_start3A_19, %dma_start3A_20] : memref<10112x16xf32, #tpu.memory_space<vmem_shared>> -> memref<10112x16xf32, #tpu.memory_space<vmem_shared>>
    tpu.enqueue_indirect_dma source(%arg7 : memref<128x16xf32, #tpu.memory_space<vmem>>) target(%dma_start3A_21 : memref<10112x16xf32, #tpu.memory_space<vmem_shared>>) offsets(%dma_start3A_18 : memref<128xi32, #tpu.memory_space<vmem>>) semaphore(%arg10 : memref<!tpu.dma_semaphore, #tpu.memory_space<semaphore_mem>>) {add = true}
    %scan3A = arith.constant 0 : i32
    %scan3A_22 = arith.constant 1 : i32
    %scan3A_23 = arith.constant 38 : i32
    %scan3A_24 = arith.addi %scan3A_22, %scan3A_23 : i32
    %scan3A_25 = arith.constant 1 : i32
    scf.for %scan3A_46 = %scan3A_22 to %scan3A_24 step %scan3A_25  : i32 {
      %mul3A_47 = arith.constant 2 : i32
      %mul3A_48 = arith.muli %mul3A_47, %scan3A_46 : i32
      %add3A_49 = arith.constant 0 : i32
      %add3A_50 = arith.addi %mul3A_48, %add3A_49 : i32
      %sub3A = arith.constant 2 : i32
      %sub3A_51 = arith.subi %add3A_50, %sub3A : i32
      %dma_wait3A_52 = arith.constant 0 : i32
      %dma_wait3A_53 = tpu.memref_slice %arg6[%sub3A_51, %dma_wait3A_52] : memref<79x128xi32, #tpu.memory_space<vmem>> -> memref<1x128xi32, #tpu.memory_space<vmem>>
      %dma_wait3A_54 = tpu.memref_squeeze %dma_wait3A_53 : memref<1x128xi32, #tpu.memory_space<vmem>> -> memref<128xi32, #tpu.memory_space<vmem>>
      %dma_wait3A_55 = arith.constant 0 : i32
      %dma_wait3A_56 = arith.constant 0 : i32
      %dma_wait3A_57 = tpu.memref_slice %arg8[%dma_wait3A_55, %dma_wait3A_56] : memref<10112x16xf32, #tpu.memory_space<vmem_shared>> -> memref<10112x16xf32, #tpu.memory_space<vmem_shared>>
      tpu.wait_indirect_dma semaphore(%arg9 : memref<!tpu.dma_semaphore, #tpu.memory_space<semaphore_mem>>) src(%arg7 : memref<128x16xf32, #tpu.memory_space<vmem>>) dst(%dma_wait3A_57 : memref<10112x16xf32, #tpu.memory_space<vmem_shared>>)
      %dma_start3A_58 = arith.constant 0 : i32
      %dma_start3A_59 = tpu.memref_slice %arg6[%add3A_50, %dma_start3A_58] : memref<79x128xi32, #tpu.memory_space<vmem>> -> memref<1x128xi32, #tpu.memory_space<vmem>>
      %dma_start3A_60 = tpu.memref_squeeze %dma_start3A_59 : memref<1x128xi32, #tpu.memory_space<vmem>> -> memref<128xi32, #tpu.memory_space<vmem>>
      %dma_start3A_61 = arith.constant 0 : i32
      %dma_start3A_62 = arith.constant 0 : i32
      %dma_start3A_63 = tpu.memref_slice %arg8[%dma_start3A_61, %dma_start3A_62] : memref<10112x16xf32, #tpu.memory_space<vmem_shared>> -> memref<10112x16xf32, #tpu.memory_space<vmem_shared>>
      tpu.enqueue_indirect_dma source(%arg7 : memref<128x16xf32, #tpu.memory_space<vmem>>) target(%dma_start3A_63 : memref<10112x16xf32, #tpu.memory_space<vmem_shared>>) offsets(%dma_start3A_60 : memref<128xi32, #tpu.memory_space<vmem>>) semaphore(%arg9 : memref<!tpu.dma_semaphore, #tpu.memory_space<semaphore_mem>>) {add = true}
      %add3A_64 = arith.constant 1 : i32
      %add3A_65 = arith.addi %mul3A_48, %add3A_64 : i32
      %sub3A_66 = arith.constant 2 : i32
      %sub3A_67 = arith.subi %add3A_65, %sub3A_66 : i32
      %dma_wait3A_68 = arith.constant 0 : i32
      %dma_wait3A_69 = tpu.memref_slice %arg6[%sub3A_67, %dma_wait3A_68] : memref<79x128xi32, #tpu.memory_space<vmem>> -> memref<1x128xi32, #tpu.memory_space<vmem>>
      %dma_wait3A_70 = tpu.memref_squeeze %dma_wait3A_69 : memref<1x128xi32, #tpu.memory_space<vmem>> -> memref<128xi32, #tpu.memory_space<vmem>>
      %dma_wait3A_71 = arith.constant 0 : i32
      %dma_wait3A_72 = arith.constant 0 : i32
      %dma_wait3A_73 = tpu.memref_slice %arg8[%dma_wait3A_71, %dma_wait3A_72] : memref<10112x16xf32, #tpu.memory_space<vmem_shared>> -> memref<10112x16xf32, #tpu.memory_space<vmem_shared>>
      tpu.wait_indirect_dma semaphore(%arg10 : memref<!tpu.dma_semaphore, #tpu.memory_space<semaphore_mem>>) src(%arg7 : memref<128x16xf32, #tpu.memory_space<vmem>>) dst(%dma_wait3A_73 : memref<10112x16xf32, #tpu.memory_space<vmem_shared>>)
      %dma_start3A_74 = arith.constant 0 : i32
      %dma_start3A_75 = tpu.memref_slice %arg6[%add3A_65, %dma_start3A_74] : memref<79x128xi32, #tpu.memory_space<vmem>> -> memref<1x128xi32, #tpu.memory_space<vmem>>
      %dma_start3A_76 = tpu.memref_squeeze %dma_start3A_75 : memref<1x128xi32, #tpu.memory_space<vmem>> -> memref<128xi32, #tpu.memory_space<vmem>>
      %dma_start3A_77 = arith.constant 0 : i32
      %dma_start3A_78 = arith.constant 0 : i32
      %dma_start3A_79 = tpu.memref_slice %arg8[%dma_start3A_77, %dma_start3A_78] : memref<10112x16xf32, #tpu.memory_space<vmem_shared>> -> memref<10112x16xf32, #tpu.memory_space<vmem_shared>>
      tpu.enqueue_indirect_dma source(%arg7 : memref<128x16xf32, #tpu.memory_space<vmem>>) target(%dma_start3A_79 : memref<10112x16xf32, #tpu.memory_space<vmem_shared>>) offsets(%dma_start3A_76 : memref<128xi32, #tpu.memory_space<vmem>>) semaphore(%arg10 : memref<!tpu.dma_semaphore, #tpu.memory_space<semaphore_mem>>) {add = true}
    }
    %scan3A_26 = arith.constant 38 : i32
    %dma_wait3A = arith.constant 76 : i32
    %dma_wait3A_27 = arith.constant 0 : i32
    %dma_wait3A_28 = tpu.memref_slice %arg6[%dma_wait3A, %dma_wait3A_27] : memref<79x128xi32, #tpu.memory_space<vmem>> -> memref<1x128xi32, #tpu.memory_space<vmem>>
    %dma_wait3A_29 = tpu.memref_squeeze %dma_wait3A_28 : memref<1x128xi32, #tpu.memory_space<vmem>> -> memref<128xi32, #tpu.memory_space<vmem>>
    %dma_wait3A_30 = arith.constant 0 : i32
    %dma_wait3A_31 = arith.constant 0 : i32
    %dma_wait3A_32 = tpu.memref_slice %arg8[%dma_wait3A_30, %dma_wait3A_31] : memref<10112x16xf32, #tpu.memory_space<vmem_shared>> -> memref<10112x16xf32, #tpu.memory_space<vmem_shared>>
    tpu.wait_indirect_dma semaphore(%arg9 : memref<!tpu.dma_semaphore, #tpu.memory_space<semaphore_mem>>) src(%arg7 : memref<128x16xf32, #tpu.memory_space<vmem>>) dst(%dma_wait3A_32 : memref<10112x16xf32, #tpu.memory_space<vmem_shared>>)
    %dma_wait3A_33 = arith.constant 77 : i32
    %dma_wait3A_34 = arith.constant 0 : i32
    %dma_wait3A_35 = tpu.memref_slice %arg6[%dma_wait3A_33, %dma_wait3A_34] : memref<79x128xi32, #tpu.memory_space<vmem>> -> memref<1x128xi32, #tpu.memory_space<vmem>>
    %dma_wait3A_36 = tpu.memref_squeeze %dma_wait3A_35 : memref<1x128xi32, #tpu.memory_space<vmem>> -> memref<128xi32, #tpu.memory_space<vmem>>
    %dma_wait3A_37 = arith.constant 0 : i32
    %dma_wait3A_38 = arith.constant 0 : i32
    %dma_wait3A_39 = tpu.memref_slice %arg8[%dma_wait3A_37, %dma_wait3A_38] : memref<10112x16xf32, #tpu.memory_space<vmem_shared>> -> memref<10112x16xf32, #tpu.memory_space<vmem_shared>>
    tpu.wait_indirect_dma semaphore(%arg10 : memref<!tpu.dma_semaphore, #tpu.memory_space<semaphore_mem>>) src(%arg7 : memref<128x16xf32, #tpu.memory_space<vmem>>) dst(%dma_wait3A_39 : memref<10112x16xf32, #tpu.memory_space<vmem_shared>>)
    %lt3A_40 = arith.constant 4 : i32
    %lt3A_41 = arith.cmpi slt, %add3A, %lt3A_40 : i32
    %convert_element_type3A_42 = arith.extui %lt3A_41 : i1 to i32
    %cond3A_43 = arith.constant 0 : i32
    %cond3A_44 = arith.cmpi ne, %convert_element_type3A_42, %cond3A_43 : i32
    scf.if %cond3A_44 {
      %run_scoped3A = arith.constant 78 : i32
      "tpu.region"() ({
        %run_scoped3A_46 = tpu.sem_alloc : memref<!tpu.dma_semaphore, #tpu.memory_space<semaphore_mem>>
        %dma_start3A_47 = arith.constant 0 : i32
        %dma_start3A_48 = tpu.memref_slice %arg6[%run_scoped3A, %dma_start3A_47] : memref<79x128xi32, #tpu.memory_space<vmem>> -> memref<1x128xi32, #tpu.memory_space<vmem>>
        %dma_start3A_49 = tpu.memref_squeeze %dma_start3A_48 : memref<1x128xi32, #tpu.memory_space<vmem>> -> memref<128xi32, #tpu.memory_space<vmem>>
        %dma_start3A_50 = arith.constant 0 : i32
        %dma_start3A_51 = arith.constant 0 : i32
        %dma_start3A_52 = tpu.memref_slice %arg8[%dma_start3A_50, %dma_start3A_51] : memref<10112x16xf32, #tpu.memory_space<vmem_shared>> -> memref<10112x16xf32, #tpu.memory_space<vmem_shared>>
        tpu.enqueue_indirect_dma source(%arg7 : memref<128x16xf32, #tpu.memory_space<vmem>>) target(%dma_start3A_52 : memref<10112x16xf32, #tpu.memory_space<vmem_shared>>) offsets(%dma_start3A_49 : memref<128xi32, #tpu.memory_space<vmem>>) semaphore(%run_scoped3A_46 : memref<!tpu.dma_semaphore, #tpu.memory_space<semaphore_mem>>) {add = true}
        %dma_wait3A_53 = arith.constant 0 : i32
        %dma_wait3A_54 = tpu.memref_slice %arg6[%run_scoped3A, %dma_wait3A_53] : memref<79x128xi32, #tpu.memory_space<vmem>> -> memref<1x128xi32, #tpu.memory_space<vmem>>
        %dma_wait3A_55 = tpu.memref_squeeze %dma_wait3A_54 : memref<1x128xi32, #tpu.memory_space<vmem>> -> memref<128xi32, #tpu.memory_space<vmem>>
        %dma_wait3A_56 = arith.constant 0 : i32
        %dma_wait3A_57 = arith.constant 0 : i32
        %dma_wait3A_58 = tpu.memref_slice %arg8[%dma_wait3A_56, %dma_wait3A_57] : memref<10112x16xf32, #tpu.memory_space<vmem_shared>> -> memref<10112x16xf32, #tpu.memory_space<vmem_shared>>
        tpu.wait_indirect_dma semaphore(%run_scoped3A_46 : memref<!tpu.dma_semaphore, #tpu.memory_space<semaphore_mem>>) src(%arg7 : memref<128x16xf32, #tpu.memory_space<vmem>>) dst(%dma_wait3A_58 : memref<10112x16xf32, #tpu.memory_space<vmem_shared>>)
        tpu.yield
      }) : () -> ()
    } else {
    }
    %barrier3A_45 = arith.constant 0 : index
    tpu.barrier barrier_id(%barrier3A_45)
    "tpu.region"() ({
      %run_scoped3A = tpu.sem_alloc : memref<!tpu.dma_semaphore, #tpu.memory_space<semaphore_mem>>
      %dma_start3A_46 = arith.constant 0 : i32
      %dma_start3A_47 = tpu.memref_slice %arg5[%arg0, %mul3A_2, %dma_start3A_46] : memref<2x10112x16xf32, #tpu.memory_space<hbm>> -> memref<1x632x16xf32, #tpu.memory_space<hbm>>
      %dma_start3A_48 = tpu.memref_squeeze %dma_start3A_47 : memref<1x632x16xf32, #tpu.memory_space<hbm>> -> memref<632x16xf32, #tpu.memory_space<hbm>>
      %dma_start3A_49 = arith.constant 0 : i32
      %dma_start3A_50 = tpu.memref_slice %arg8[%mul3A_2, %dma_start3A_49] : memref<10112x16xf32, #tpu.memory_space<vmem_shared>> -> memref<632x16xf32, #tpu.memory_space<vmem_shared>>
      tpu.enqueue_dma source(%dma_start3A_50 : memref<632x16xf32, #tpu.memory_space<vmem_shared>>) target(%dma_start3A_48 : memref<632x16xf32, #tpu.memory_space<hbm>>) target_semaphore(%run_scoped3A : memref<!tpu.dma_semaphore, #tpu.memory_space<semaphore_mem>>)
      %dma_wait3A_51 = arith.constant 0 : i32
      %dma_wait3A_52 = tpu.memref_slice %arg5[%arg0, %mul3A_2, %dma_wait3A_51] : memref<2x10112x16xf32, #tpu.memory_space<hbm>> -> memref<1x632x16xf32, #tpu.memory_space<hbm>>
      %dma_wait3A_53 = tpu.memref_squeeze %dma_wait3A_52 : memref<1x632x16xf32, #tpu.memory_space<hbm>> -> memref<632x16xf32, #tpu.memory_space<hbm>>
      %dma_wait3A_54 = arith.constant 0 : i32
      %dma_wait3A_55 = tpu.memref_slice %arg8[%mul3A_2, %dma_wait3A_54] : memref<10112x16xf32, #tpu.memory_space<vmem_shared>> -> memref<632x16xf32, #tpu.memory_space<vmem_shared>>
      tpu.wait_dma2 semaphore(%run_scoped3A : memref<!tpu.dma_semaphore, #tpu.memory_space<semaphore_mem>>) src(%dma_wait3A_55 : memref<632x16xf32, #tpu.memory_space<vmem_shared>>) dst(%dma_wait3A_53 : memref<632x16xf32, #tpu.memory_space<hbm>>)
      tpu.yield
    }) : () -> ()
    return
  }
}

#map = affine_map<(d0, d1) -> (0, 0)>
#map1 = affine_map<(d0, d1) -> (0, 0, 0)>
module attributes {stable_mosaic.version = 14 : i64} {
  func.func @_sc_aggregate(%arg0: i32, %arg1: i32, %arg2: memref<10112x16xf32, #tpu.memory_space<hbm>>, %arg3: memref<5000x128xi32, #tpu.memory_space<hbm>>, %arg4: memref<10112x16xf32, #tpu.memory_space<hbm>>, %arg5: memref<2x10112x16xf32, #tpu.memory_space<hbm>>, %arg6: memref<79x128xi32, #tpu.memory_space<vmem>>, %arg7: memref<79x128xi32, #tpu.memory_space<vmem>>, %arg8: memref<2x128x16xf32, #tpu.memory_space<vmem>>, %arg9: memref<10112x16xf32, #tpu.memory_space<vmem_shared>>, %arg10: memref<10112x16xf32, #tpu.memory_space<vmem_shared>>, %arg11: memref<!tpu.dma_semaphore, #tpu.memory_space<semaphore_mem>>, %arg12: memref<!tpu.dma_semaphore, #tpu.memory_space<semaphore_mem>>) attributes {dimension_semantics = [#tpu.dimension_semantics<core_parallel>, #tpu.dimension_semantics<subcore_parallel>], iteration_bounds = array<i64: 2, 16>, scalar_prefetch = 0 : i64, scratch_operands = 7 : i64, tpu.core_type = #tpu.core_type<sc_vector_subcore>, window_params = [{transform_indices = #map}, {transform_indices = #map}, {transform_indices = #map}, {transform_indices = #map1}]} {
    %mul3A = arith.constant 2 : i32
    %mul3A_0 = arith.muli %arg1, %mul3A : i32
    %add3A = arith.addi %mul3A_0, %arg0 : i32
    %mul3A_1 = arith.constant 632 : i32
    %mul3A_2 = arith.muli %arg1, %mul3A_1 : i32
    "tpu.region"() ({
      %run_scoped3A_71 = tpu.sem_alloc : memref<!tpu.dma_semaphore, #tpu.memory_space<semaphore_mem>>
      %dma_start3A_72 = arith.constant 0 : i32
      %dma_start3A_73 = tpu.memref_slice %arg10[%mul3A_2, %dma_start3A_72] : memref<10112x16xf32, #tpu.memory_space<vmem_shared>> -> memref<632x16xf32, #tpu.memory_space<vmem_shared>>
      %dma_start3A_74 = arith.constant 0 : i32
      %dma_start3A_75 = tpu.memref_slice %arg4[%mul3A_2, %dma_start3A_74] : memref<10112x16xf32, #tpu.memory_space<hbm>> -> memref<632x16xf32, #tpu.memory_space<hbm>>
      tpu.enqueue_dma source(%dma_start3A_75 : memref<632x16xf32, #tpu.memory_space<hbm>>) target(%dma_start3A_73 : memref<632x16xf32, #tpu.memory_space<vmem_shared>>) target_semaphore(%run_scoped3A_71 : memref<!tpu.dma_semaphore, #tpu.memory_space<semaphore_mem>>)
      %dma_wait3A_76 = arith.constant 0 : i32
      %dma_wait3A_77 = tpu.memref_slice %arg10[%mul3A_2, %dma_wait3A_76] : memref<10112x16xf32, #tpu.memory_space<vmem_shared>> -> memref<632x16xf32, #tpu.memory_space<vmem_shared>>
      %dma_wait3A_78 = arith.constant 0 : i32
      %dma_wait3A_79 = tpu.memref_slice %arg4[%mul3A_2, %dma_wait3A_78] : memref<10112x16xf32, #tpu.memory_space<hbm>> -> memref<632x16xf32, #tpu.memory_space<hbm>>
      tpu.wait_dma2 semaphore(%run_scoped3A_71 : memref<!tpu.dma_semaphore, #tpu.memory_space<semaphore_mem>>) src(%dma_wait3A_79 : memref<632x16xf32, #tpu.memory_space<hbm>>) dst(%dma_wait3A_77 : memref<632x16xf32, #tpu.memory_space<vmem_shared>>)
      tpu.yield
    }) : () -> ()
    "tpu.region"() ({
      %run_scoped3A_71 = tpu.sem_alloc : memref<!tpu.dma_semaphore, #tpu.memory_space<semaphore_mem>>
      %dma_start3A_72 = arith.constant 0 : i32
      %dma_start3A_73 = tpu.memref_slice %arg9[%mul3A_2, %dma_start3A_72] : memref<10112x16xf32, #tpu.memory_space<vmem_shared>> -> memref<632x16xf32, #tpu.memory_space<vmem_shared>>
      %dma_start3A_74 = arith.constant 0 : i32
      %dma_start3A_75 = tpu.memref_slice %arg2[%mul3A_2, %dma_start3A_74] : memref<10112x16xf32, #tpu.memory_space<hbm>> -> memref<632x16xf32, #tpu.memory_space<hbm>>
      tpu.enqueue_dma source(%dma_start3A_75 : memref<632x16xf32, #tpu.memory_space<hbm>>) target(%dma_start3A_73 : memref<632x16xf32, #tpu.memory_space<vmem_shared>>) target_semaphore(%run_scoped3A_71 : memref<!tpu.dma_semaphore, #tpu.memory_space<semaphore_mem>>)
      %dma_wait3A_76 = arith.constant 0 : i32
      %dma_wait3A_77 = tpu.memref_slice %arg9[%mul3A_2, %dma_wait3A_76] : memref<10112x16xf32, #tpu.memory_space<vmem_shared>> -> memref<632x16xf32, #tpu.memory_space<vmem_shared>>
      %dma_wait3A_78 = arith.constant 0 : i32
      %dma_wait3A_79 = tpu.memref_slice %arg2[%mul3A_2, %dma_wait3A_78] : memref<10112x16xf32, #tpu.memory_space<hbm>> -> memref<632x16xf32, #tpu.memory_space<hbm>>
      tpu.wait_dma2 semaphore(%run_scoped3A_71 : memref<!tpu.dma_semaphore, #tpu.memory_space<semaphore_mem>>) src(%dma_wait3A_79 : memref<632x16xf32, #tpu.memory_space<hbm>>) dst(%dma_wait3A_77 : memref<632x16xf32, #tpu.memory_space<vmem_shared>>)
      tpu.yield
    }) : () -> ()
    %mul3A_3 = arith.constant 78 : i32
    %mul3A_4 = arith.muli %add3A, %mul3A_3 : i32
    "tpu.region"() ({
      %run_scoped3A_71 = tpu.sem_alloc : memref<!tpu.dma_semaphore, #tpu.memory_space<semaphore_mem>>
      %dma_start3A_72 = arith.constant 0 : i32
      %dma_start3A_73 = arith.constant 0 : i32
      %dma_start3A_74 = tpu.memref_slice %arg6[%dma_start3A_72, %dma_start3A_73] : memref<79x128xi32, #tpu.memory_space<vmem>> -> memref<78x128xi32, #tpu.memory_space<vmem>>
      %dma_start3A_75 = arith.constant 0 : i32
      %dma_start3A_76 = tpu.memref_slice %arg3[%mul3A_4, %dma_start3A_75] : memref<5000x128xi32, #tpu.memory_space<hbm>> -> memref<78x128xi32, #tpu.memory_space<hbm>>
      %dma_start3A_77 = arith.constant 0 : i32
      %dma_start3A_78 = arith.constant 0 : i32
      %dma_start3A_79 = tpu.memref_slice %arg6[%dma_start3A_77, %dma_start3A_78] : memref<79x128xi32, #tpu.memory_space<vmem>> -> memref<78x128xi32, #tpu.memory_space<vmem>>
      %dma_start3A_80 = arith.constant 0 : i32
      %dma_start3A_81 = tpu.memref_slice %arg3[%mul3A_4, %dma_start3A_80] : memref<5000x128xi32, #tpu.memory_space<hbm>> -> memref<78x128xi32, #tpu.memory_space<hbm>>
      tpu.enqueue_dma source(%dma_start3A_81 : memref<78x128xi32, #tpu.memory_space<hbm>>) target(%dma_start3A_79 : memref<78x128xi32, #tpu.memory_space<vmem>>) target_semaphore(%run_scoped3A_71 : memref<!tpu.dma_semaphore, #tpu.memory_space<semaphore_mem>>)
      %dma_wait3A_82 = arith.constant 0 : i32
      %dma_wait3A_83 = arith.constant 0 : i32
      %dma_wait3A_84 = tpu.memref_slice %arg6[%dma_wait3A_82, %dma_wait3A_83] : memref<79x128xi32, #tpu.memory_space<vmem>> -> memref<78x128xi32, #tpu.memory_space<vmem>>
      %dma_wait3A_85 = arith.constant 0 : i32
      %dma_wait3A_86 = tpu.memref_slice %arg3[%mul3A_4, %dma_wait3A_85] : memref<5000x128xi32, #tpu.memory_space<hbm>> -> memref<78x128xi32, #tpu.memory_space<hbm>>
      %dma_wait3A_87 = arith.constant 0 : i32
      %dma_wait3A_88 = arith.constant 0 : i32
      %dma_wait3A_89 = tpu.memref_slice %arg6[%dma_wait3A_87, %dma_wait3A_88] : memref<79x128xi32, #tpu.memory_space<vmem>> -> memref<78x128xi32, #tpu.memory_space<vmem>>
      %dma_wait3A_90 = arith.constant 0 : i32
      %dma_wait3A_91 = tpu.memref_slice %arg3[%mul3A_4, %dma_wait3A_90] : memref<5000x128xi32, #tpu.memory_space<hbm>> -> memref<78x128xi32, #tpu.memory_space<hbm>>
      tpu.wait_dma2 semaphore(%run_scoped3A_71 : memref<!tpu.dma_semaphore, #tpu.memory_space<semaphore_mem>>) src(%dma_wait3A_91 : memref<78x128xi32, #tpu.memory_space<hbm>>) dst(%dma_wait3A_89 : memref<78x128xi32, #tpu.memory_space<vmem>>)
      tpu.yield
    }) : () -> ()
    %mul3A_5 = arith.constant 78 : i32
    %mul3A_6 = arith.muli %add3A, %mul3A_5 : i32
    %add3A_7 = arith.constant 2500 : i32
    %add3A_8 = arith.addi %add3A_7, %mul3A_6 : i32
    "tpu.region"() ({
      %run_scoped3A_71 = tpu.sem_alloc : memref<!tpu.dma_semaphore, #tpu.memory_space<semaphore_mem>>
      %dma_start3A_72 = arith.constant 0 : i32
      %dma_start3A_73 = arith.constant 0 : i32
      %dma_start3A_74 = tpu.memref_slice %arg7[%dma_start3A_72, %dma_start3A_73] : memref<79x128xi32, #tpu.memory_space<vmem>> -> memref<78x128xi32, #tpu.memory_space<vmem>>
      %dma_start3A_75 = arith.constant 0 : i32
      %dma_start3A_76 = tpu.memref_slice %arg3[%add3A_8, %dma_start3A_75] : memref<5000x128xi32, #tpu.memory_space<hbm>> -> memref<78x128xi32, #tpu.memory_space<hbm>>
      %dma_start3A_77 = arith.constant 0 : i32
      %dma_start3A_78 = arith.constant 0 : i32
      %dma_start3A_79 = tpu.memref_slice %arg7[%dma_start3A_77, %dma_start3A_78] : memref<79x128xi32, #tpu.memory_space<vmem>> -> memref<78x128xi32, #tpu.memory_space<vmem>>
      %dma_start3A_80 = arith.constant 0 : i32
      %dma_start3A_81 = tpu.memref_slice %arg3[%add3A_8, %dma_start3A_80] : memref<5000x128xi32, #tpu.memory_space<hbm>> -> memref<78x128xi32, #tpu.memory_space<hbm>>
      tpu.enqueue_dma source(%dma_start3A_81 : memref<78x128xi32, #tpu.memory_space<hbm>>) target(%dma_start3A_79 : memref<78x128xi32, #tpu.memory_space<vmem>>) target_semaphore(%run_scoped3A_71 : memref<!tpu.dma_semaphore, #tpu.memory_space<semaphore_mem>>)
      %dma_wait3A_82 = arith.constant 0 : i32
      %dma_wait3A_83 = arith.constant 0 : i32
      %dma_wait3A_84 = tpu.memref_slice %arg7[%dma_wait3A_82, %dma_wait3A_83] : memref<79x128xi32, #tpu.memory_space<vmem>> -> memref<78x128xi32, #tpu.memory_space<vmem>>
      %dma_wait3A_85 = arith.constant 0 : i32
      %dma_wait3A_86 = tpu.memref_slice %arg3[%add3A_8, %dma_wait3A_85] : memref<5000x128xi32, #tpu.memory_space<hbm>> -> memref<78x128xi32, #tpu.memory_space<hbm>>
      %dma_wait3A_87 = arith.constant 0 : i32
      %dma_wait3A_88 = arith.constant 0 : i32
      %dma_wait3A_89 = tpu.memref_slice %arg7[%dma_wait3A_87, %dma_wait3A_88] : memref<79x128xi32, #tpu.memory_space<vmem>> -> memref<78x128xi32, #tpu.memory_space<vmem>>
      %dma_wait3A_90 = arith.constant 0 : i32
      %dma_wait3A_91 = tpu.memref_slice %arg3[%add3A_8, %dma_wait3A_90] : memref<5000x128xi32, #tpu.memory_space<hbm>> -> memref<78x128xi32, #tpu.memory_space<hbm>>
      tpu.wait_dma2 semaphore(%run_scoped3A_71 : memref<!tpu.dma_semaphore, #tpu.memory_space<semaphore_mem>>) src(%dma_wait3A_91 : memref<78x128xi32, #tpu.memory_space<hbm>>) dst(%dma_wait3A_89 : memref<78x128xi32, #tpu.memory_space<vmem>>)
      tpu.yield
    }) : () -> ()
    %lt3A = arith.constant 4 : i32
    %lt3A_9 = arith.cmpi slt, %add3A, %lt3A : i32
    %convert_element_type3A = arith.extui %lt3A_9 : i1 to i32
    %cond3A = arith.constant 0 : i32
    %cond3A_10 = arith.cmpi ne, %convert_element_type3A, %cond3A : i32
    scf.if %cond3A_10 {
      %add3A_71 = arith.constant 2496 : i32
      %add3A_72 = arith.addi %add3A_71, %add3A : i32
      "tpu.region"() ({
        %run_scoped3A_75 = tpu.sem_alloc : memref<!tpu.dma_semaphore, #tpu.memory_space<semaphore_mem>>
        %dma_start3A_76 = arith.constant 78 : i32
        %dma_start3A_77 = arith.constant 0 : i32
        %dma_start3A_78 = tpu.memref_slice %arg6[%dma_start3A_76, %dma_start3A_77] : memref<79x128xi32, #tpu.memory_space<vmem>> -> memref<1x128xi32, #tpu.memory_space<vmem>>
        %dma_start3A_79 = arith.constant 0 : i32
        %dma_start3A_80 = tpu.memref_slice %arg3[%add3A_72, %dma_start3A_79] : memref<5000x128xi32, #tpu.memory_space<hbm>> -> memref<1x128xi32, #tpu.memory_space<hbm>>
        %dma_start3A_81 = arith.constant 78 : i32
        %dma_start3A_82 = arith.constant 0 : i32
        %dma_start3A_83 = tpu.memref_slice %arg6[%dma_start3A_81, %dma_start3A_82] : memref<79x128xi32, #tpu.memory_space<vmem>> -> memref<1x128xi32, #tpu.memory_space<vmem>>
        %dma_start3A_84 = arith.constant 0 : i32
        %dma_start3A_85 = tpu.memref_slice %arg3[%add3A_72, %dma_start3A_84] : memref<5000x128xi32, #tpu.memory_space<hbm>> -> memref<1x128xi32, #tpu.memory_space<hbm>>
        tpu.enqueue_dma source(%dma_start3A_85 : memref<1x128xi32, #tpu.memory_space<hbm>>) target(%dma_start3A_83 : memref<1x128xi32, #tpu.memory_space<vmem>>) target_semaphore(%run_scoped3A_75 : memref<!tpu.dma_semaphore, #tpu.memory_space<semaphore_mem>>)
        %dma_wait3A_86 = arith.constant 78 : i32
        %dma_wait3A_87 = arith.constant 0 : i32
        %dma_wait3A_88 = tpu.memref_slice %arg6[%dma_wait3A_86, %dma_wait3A_87] : memref<79x128xi32, #tpu.memory_space<vmem>> -> memref<1x128xi32, #tpu.memory_space<vmem>>
        %dma_wait3A_89 = arith.constant 0 : i32
        %dma_wait3A_90 = tpu.memref_slice %arg3[%add3A_72, %dma_wait3A_89] : memref<5000x128xi32, #tpu.memory_space<hbm>> -> memref<1x128xi32, #tpu.memory_space<hbm>>
        %dma_wait3A_91 = arith.constant 78 : i32
        %dma_wait3A_92 = arith.constant 0 : i32
        %dma_wait3A_93 = tpu.memref_slice %arg6[%dma_wait3A_91, %dma_wait3A_92] : memref<79x128xi32, #tpu.memory_space<vmem>> -> memref<1x128xi32, #tpu.memory_space<vmem>>
        %dma_wait3A_94 = arith.constant 0 : i32
        %dma_wait3A_95 = tpu.memref_slice %arg3[%add3A_72, %dma_wait3A_94] : memref<5000x128xi32, #tpu.memory_space<hbm>> -> memref<1x128xi32, #tpu.memory_space<hbm>>
        tpu.wait_dma2 semaphore(%run_scoped3A_75 : memref<!tpu.dma_semaphore, #tpu.memory_space<semaphore_mem>>) src(%dma_wait3A_95 : memref<1x128xi32, #tpu.memory_space<hbm>>) dst(%dma_wait3A_93 : memref<1x128xi32, #tpu.memory_space<vmem>>)
        tpu.yield
      }) : () -> ()
      %add3A_73 = arith.constant 4996 : i32
      %add3A_74 = arith.addi %add3A_73, %add3A : i32
      "tpu.region"() ({
        %run_scoped3A_75 = tpu.sem_alloc : memref<!tpu.dma_semaphore, #tpu.memory_space<semaphore_mem>>
        %dma_start3A_76 = arith.constant 78 : i32
        %dma_start3A_77 = arith.constant 0 : i32
        %dma_start3A_78 = tpu.memref_slice %arg7[%dma_start3A_76, %dma_start3A_77] : memref<79x128xi32, #tpu.memory_space<vmem>> -> memref<1x128xi32, #tpu.memory_space<vmem>>
        %dma_start3A_79 = arith.constant 0 : i32
        %dma_start3A_80 = tpu.memref_slice %arg3[%add3A_74, %dma_start3A_79] : memref<5000x128xi32, #tpu.memory_space<hbm>> -> memref<1x128xi32, #tpu.memory_space<hbm>>
        %dma_start3A_81 = arith.constant 78 : i32
        %dma_start3A_82 = arith.constant 0 : i32
        %dma_start3A_83 = tpu.memref_slice %arg7[%dma_start3A_81, %dma_start3A_82] : memref<79x128xi32, #tpu.memory_space<vmem>> -> memref<1x128xi32, #tpu.memory_space<vmem>>
        %dma_start3A_84 = arith.constant 0 : i32
        %dma_start3A_85 = tpu.memref_slice %arg3[%add3A_74, %dma_start3A_84] : memref<5000x128xi32, #tpu.memory_space<hbm>> -> memref<1x128xi32, #tpu.memory_space<hbm>>
        tpu.enqueue_dma source(%dma_start3A_85 : memref<1x128xi32, #tpu.memory_space<hbm>>) target(%dma_start3A_83 : memref<1x128xi32, #tpu.memory_space<vmem>>) target_semaphore(%run_scoped3A_75 : memref<!tpu.dma_semaphore, #tpu.memory_space<semaphore_mem>>)
        %dma_wait3A_86 = arith.constant 78 : i32
        %dma_wait3A_87 = arith.constant 0 : i32
        %dma_wait3A_88 = tpu.memref_slice %arg7[%dma_wait3A_86, %dma_wait3A_87] : memref<79x128xi32, #tpu.memory_space<vmem>> -> memref<1x128xi32, #tpu.memory_space<vmem>>
        %dma_wait3A_89 = arith.constant 0 : i32
        %dma_wait3A_90 = tpu.memref_slice %arg3[%add3A_74, %dma_wait3A_89] : memref<5000x128xi32, #tpu.memory_space<hbm>> -> memref<1x128xi32, #tpu.memory_space<hbm>>
        %dma_wait3A_91 = arith.constant 78 : i32
        %dma_wait3A_92 = arith.constant 0 : i32
        %dma_wait3A_93 = tpu.memref_slice %arg7[%dma_wait3A_91, %dma_wait3A_92] : memref<79x128xi32, #tpu.memory_space<vmem>> -> memref<1x128xi32, #tpu.memory_space<vmem>>
        %dma_wait3A_94 = arith.constant 0 : i32
        %dma_wait3A_95 = tpu.memref_slice %arg3[%add3A_74, %dma_wait3A_94] : memref<5000x128xi32, #tpu.memory_space<hbm>> -> memref<1x128xi32, #tpu.memory_space<hbm>>
        tpu.wait_dma2 semaphore(%run_scoped3A_75 : memref<!tpu.dma_semaphore, #tpu.memory_space<semaphore_mem>>) src(%dma_wait3A_95 : memref<1x128xi32, #tpu.memory_space<hbm>>) dst(%dma_wait3A_93 : memref<1x128xi32, #tpu.memory_space<vmem>>)
        tpu.yield
      }) : () -> ()
    } else {
    }
    %barrier3A = arith.constant 0 : index
    tpu.barrier barrier_id(%barrier3A)
    %run_scoped3A = arith.constant 0 : i32
    %run_scoped3A_11 = arith.constant 0 : i32
    "tpu.region"() ({
      %run_scoped3A_71 = tpu.sem_alloc : memref<!tpu.dma_semaphore, #tpu.memory_space<semaphore_mem>>
      %dma_start3A_72 = arith.constant 0 : i32
      %dma_start3A_73 = arith.constant 0 : i32
      %dma_start3A_74 = tpu.memref_slice %arg8[%run_scoped3A_11, %dma_start3A_72, %dma_start3A_73] : memref<2x128x16xf32, #tpu.memory_space<vmem>> -> memref<1x128x16xf32, #tpu.memory_space<vmem>>
      %dma_start3A_75 = tpu.memref_squeeze %dma_start3A_74 : memref<1x128x16xf32, #tpu.memory_space<vmem>> -> memref<128x16xf32, #tpu.memory_space<vmem>>
      %dma_start3A_76 = arith.constant 0 : i32
      %dma_start3A_77 = tpu.memref_slice %arg6[%run_scoped3A, %dma_start3A_76] : memref<79x128xi32, #tpu.memory_space<vmem>> -> memref<1x128xi32, #tpu.memory_space<vmem>>
      %dma_start3A_78 = tpu.memref_squeeze %dma_start3A_77 : memref<1x128xi32, #tpu.memory_space<vmem>> -> memref<128xi32, #tpu.memory_space<vmem>>
      %dma_start3A_79 = arith.constant 0 : i32
      %dma_start3A_80 = arith.constant 0 : i32
      %dma_start3A_81 = tpu.memref_slice %arg9[%dma_start3A_79, %dma_start3A_80] : memref<10112x16xf32, #tpu.memory_space<vmem_shared>> -> memref<10112x16xf32, #tpu.memory_space<vmem_shared>>
      tpu.enqueue_indirect_dma source(%dma_start3A_81 : memref<10112x16xf32, #tpu.memory_space<vmem_shared>>) target(%dma_start3A_75 : memref<128x16xf32, #tpu.memory_space<vmem>>) offsets(%dma_start3A_78 : memref<128xi32, #tpu.memory_space<vmem>>) semaphore(%run_scoped3A_71 : memref<!tpu.dma_semaphore, #tpu.memory_space<semaphore_mem>>)
      %dma_wait3A_82 = arith.constant 0 : i32
      %dma_wait3A_83 = arith.constant 0 : i32
      %dma_wait3A_84 = tpu.memref_slice %arg8[%run_scoped3A_11, %dma_wait3A_82, %dma_wait3A_83] : memref<2x128x16xf32, #tpu.memory_space<vmem>> -> memref<1x128x16xf32, #tpu.memory_space<vmem>>
      %dma_wait3A_85 = tpu.memref_squeeze %dma_wait3A_84 : memref<1x128x16xf32, #tpu.memory_space<vmem>> -> memref<128x16xf32, #tpu.memory_space<vmem>>
      %dma_wait3A_86 = arith.constant 0 : i32
      %dma_wait3A_87 = tpu.memref_slice %arg6[%run_scoped3A, %dma_wait3A_86] : memref<79x128xi32, #tpu.memory_space<vmem>> -> memref<1x128xi32, #tpu.memory_space<vmem>>
      %dma_wait3A_88 = tpu.memref_squeeze %dma_wait3A_87 : memref<1x128xi32, #tpu.memory_space<vmem>> -> memref<128xi32, #tpu.memory_space<vmem>>
      %dma_wait3A_89 = arith.constant 0 : i32
      %dma_wait3A_90 = arith.constant 0 : i32
      %dma_wait3A_91 = tpu.memref_slice %arg9[%dma_wait3A_89, %dma_wait3A_90] : memref<10112x16xf32, #tpu.memory_space<vmem_shared>> -> memref<10112x16xf32, #tpu.memory_space<vmem_shared>>
      tpu.wait_indirect_dma semaphore(%run_scoped3A_71 : memref<!tpu.dma_semaphore, #tpu.memory_space<semaphore_mem>>) src(%dma_wait3A_91 : memref<10112x16xf32, #tpu.memory_space<vmem_shared>>) dst(%dma_wait3A_85 : memref<128x16xf32, #tpu.memory_space<vmem>>)
      tpu.yield
    }) : () -> ()
    %dma_start3A = arith.constant 0 : i32
    %dma_start3A_12 = arith.constant 0 : i32
    %dma_start3A_13 = arith.constant 0 : i32
    %dma_start3A_14 = arith.constant 0 : i32
    %dma_start3A_15 = tpu.memref_slice %arg8[%dma_start3A, %dma_start3A_13, %dma_start3A_14] : memref<2x128x16xf32, #tpu.memory_space<vmem>> -> memref<1x128x16xf32, #tpu.memory_space<vmem>>
    %dma_start3A_16 = tpu.memref_squeeze %dma_start3A_15 : memref<1x128x16xf32, #tpu.memory_space<vmem>> -> memref<128x16xf32, #tpu.memory_space<vmem>>
    %dma_start3A_17 = arith.constant 0 : i32
    %dma_start3A_18 = tpu.memref_slice %arg7[%dma_start3A_12, %dma_start3A_17] : memref<79x128xi32, #tpu.memory_space<vmem>> -> memref<1x128xi32, #tpu.memory_space<vmem>>
    %dma_start3A_19 = tpu.memref_squeeze %dma_start3A_18 : memref<1x128xi32, #tpu.memory_space<vmem>> -> memref<128xi32, #tpu.memory_space<vmem>>
    %dma_start3A_20 = arith.constant 0 : i32
    %dma_start3A_21 = arith.constant 0 : i32
    %dma_start3A_22 = tpu.memref_slice %arg10[%dma_start3A_20, %dma_start3A_21] : memref<10112x16xf32, #tpu.memory_space<vmem_shared>> -> memref<10112x16xf32, #tpu.memory_space<vmem_shared>>
    tpu.enqueue_indirect_dma source(%dma_start3A_16 : memref<128x16xf32, #tpu.memory_space<vmem>>) target(%dma_start3A_22 : memref<10112x16xf32, #tpu.memory_space<vmem_shared>>) offsets(%dma_start3A_19 : memref<128xi32, #tpu.memory_space<vmem>>) semaphore(%arg11 : memref<!tpu.dma_semaphore, #tpu.memory_space<semaphore_mem>>) {add = true}
    %run_scoped3A_23 = arith.constant 1 : i32
    %run_scoped3A_24 = arith.constant 1 : i32
    "tpu.region"() ({
      %run_scoped3A_71 = tpu.sem_alloc : memref<!tpu.dma_semaphore, #tpu.memory_space<semaphore_mem>>
      %dma_start3A_72 = arith.constant 0 : i32
      %dma_start3A_73 = arith.constant 0 : i32
      %dma_start3A_74 = tpu.memref_slice %arg8[%run_scoped3A_24, %dma_start3A_72, %dma_start3A_73] : memref<2x128x16xf32, #tpu.memory_space<vmem>> -> memref<1x128x16xf32, #tpu.memory_space<vmem>>
      %dma_start3A_75 = tpu.memref_squeeze %dma_start3A_74 : memref<1x128x16xf32, #tpu.memory_space<vmem>> -> memref<128x16xf32, #tpu.memory_space<vmem>>
      %dma_start3A_76 = arith.constant 0 : i32
      %dma_start3A_77 = tpu.memref_slice %arg6[%run_scoped3A_23, %dma_start3A_76] : memref<79x128xi32, #tpu.memory_space<vmem>> -> memref<1x128xi32, #tpu.memory_space<vmem>>
      %dma_start3A_78 = tpu.memref_squeeze %dma_start3A_77 : memref<1x128xi32, #tpu.memory_space<vmem>> -> memref<128xi32, #tpu.memory_space<vmem>>
      %dma_start3A_79 = arith.constant 0 : i32
      %dma_start3A_80 = arith.constant 0 : i32
      %dma_start3A_81 = tpu.memref_slice %arg9[%dma_start3A_79, %dma_start3A_80] : memref<10112x16xf32, #tpu.memory_space<vmem_shared>> -> memref<10112x16xf32, #tpu.memory_space<vmem_shared>>
      tpu.enqueue_indirect_dma source(%dma_start3A_81 : memref<10112x16xf32, #tpu.memory_space<vmem_shared>>) target(%dma_start3A_75 : memref<128x16xf32, #tpu.memory_space<vmem>>) offsets(%dma_start3A_78 : memref<128xi32, #tpu.memory_space<vmem>>) semaphore(%run_scoped3A_71 : memref<!tpu.dma_semaphore, #tpu.memory_space<semaphore_mem>>)
      %dma_wait3A_82 = arith.constant 0 : i32
      %dma_wait3A_83 = arith.constant 0 : i32
      %dma_wait3A_84 = tpu.memref_slice %arg8[%run_scoped3A_24, %dma_wait3A_82, %dma_wait3A_83] : memref<2x128x16xf32, #tpu.memory_space<vmem>> -> memref<1x128x16xf32, #tpu.memory_space<vmem>>
      %dma_wait3A_85 = tpu.memref_squeeze %dma_wait3A_84 : memref<1x128x16xf32, #tpu.memory_space<vmem>> -> memref<128x16xf32, #tpu.memory_space<vmem>>
      %dma_wait3A_86 = arith.constant 0 : i32
      %dma_wait3A_87 = tpu.memref_slice %arg6[%run_scoped3A_23, %dma_wait3A_86] : memref<79x128xi32, #tpu.memory_space<vmem>> -> memref<1x128xi32, #tpu.memory_space<vmem>>
      %dma_wait3A_88 = tpu.memref_squeeze %dma_wait3A_87 : memref<1x128xi32, #tpu.memory_space<vmem>> -> memref<128xi32, #tpu.memory_space<vmem>>
      %dma_wait3A_89 = arith.constant 0 : i32
      %dma_wait3A_90 = arith.constant 0 : i32
      %dma_wait3A_91 = tpu.memref_slice %arg9[%dma_wait3A_89, %dma_wait3A_90] : memref<10112x16xf32, #tpu.memory_space<vmem_shared>> -> memref<10112x16xf32, #tpu.memory_space<vmem_shared>>
      tpu.wait_indirect_dma semaphore(%run_scoped3A_71 : memref<!tpu.dma_semaphore, #tpu.memory_space<semaphore_mem>>) src(%dma_wait3A_91 : memref<10112x16xf32, #tpu.memory_space<vmem_shared>>) dst(%dma_wait3A_85 : memref<128x16xf32, #tpu.memory_space<vmem>>)
      tpu.yield
    }) : () -> ()
    %dma_start3A_25 = arith.constant 1 : i32
    %dma_start3A_26 = arith.constant 1 : i32
    %dma_start3A_27 = arith.constant 0 : i32
    %dma_start3A_28 = arith.constant 0 : i32
    %dma_start3A_29 = tpu.memref_slice %arg8[%dma_start3A_25, %dma_start3A_27, %dma_start3A_28] : memref<2x128x16xf32, #tpu.memory_space<vmem>> -> memref<1x128x16xf32, #tpu.memory_space<vmem>>
    %dma_start3A_30 = tpu.memref_squeeze %dma_start3A_29 : memref<1x128x16xf32, #tpu.memory_space<vmem>> -> memref<128x16xf32, #tpu.memory_space<vmem>>
    %dma_start3A_31 = arith.constant 0 : i32
    %dma_start3A_32 = tpu.memref_slice %arg7[%dma_start3A_26, %dma_start3A_31] : memref<79x128xi32, #tpu.memory_space<vmem>> -> memref<1x128xi32, #tpu.memory_space<vmem>>
    %dma_start3A_33 = tpu.memref_squeeze %dma_start3A_32 : memref<1x128xi32, #tpu.memory_space<vmem>> -> memref<128xi32, #tpu.memory_space<vmem>>
    %dma_start3A_34 = arith.constant 0 : i32
    %dma_start3A_35 = arith.constant 0 : i32
    %dma_start3A_36 = tpu.memref_slice %arg10[%dma_start3A_34, %dma_start3A_35] : memref<10112x16xf32, #tpu.memory_space<vmem_shared>> -> memref<10112x16xf32, #tpu.memory_space<vmem_shared>>
    tpu.enqueue_indirect_dma source(%dma_start3A_30 : memref<128x16xf32, #tpu.memory_space<vmem>>) target(%dma_start3A_36 : memref<10112x16xf32, #tpu.memory_space<vmem_shared>>) offsets(%dma_start3A_33 : memref<128xi32, #tpu.memory_space<vmem>>) semaphore(%arg12 : memref<!tpu.dma_semaphore, #tpu.memory_space<semaphore_mem>>) {add = true}
    %scan3A = arith.constant 0 : i32
    %scan3A_37 = arith.constant 1 : i32
    %scan3A_38 = arith.constant 38 : i32
    %scan3A_39 = arith.addi %scan3A_37, %scan3A_38 : i32
    %scan3A_40 = arith.constant 1 : i32
    scf.for %scan3A_71 = %scan3A_37 to %scan3A_39 step %scan3A_40  : i32 {
      %mul3A_72 = arith.constant 2 : i32
      %mul3A_73 = arith.muli %mul3A_72, %scan3A_71 : i32
      %add3A_74 = arith.constant 0 : i32
      %add3A_75 = arith.addi %mul3A_73, %add3A_74 : i32
      %sub3A = arith.constant 2 : i32
      %sub3A_76 = arith.subi %add3A_75, %sub3A : i32
      %dma_wait3A_77 = arith.constant 0 : i32
      %dma_wait3A_78 = arith.constant 0 : i32
      %dma_wait3A_79 = arith.constant 0 : i32
      %dma_wait3A_80 = tpu.memref_slice %arg8[%dma_wait3A_77, %dma_wait3A_78, %dma_wait3A_79] : memref<2x128x16xf32, #tpu.memory_space<vmem>> -> memref<1x128x16xf32, #tpu.memory_space<vmem>>
      %dma_wait3A_81 = tpu.memref_squeeze %dma_wait3A_80 : memref<1x128x16xf32, #tpu.memory_space<vmem>> -> memref<128x16xf32, #tpu.memory_space<vmem>>
      %dma_wait3A_82 = arith.constant 0 : i32
      %dma_wait3A_83 = tpu.memref_slice %arg7[%sub3A_76, %dma_wait3A_82] : memref<79x128xi32, #tpu.memory_space<vmem>> -> memref<1x128xi32, #tpu.memory_space<vmem>>
      %dma_wait3A_84 = tpu.memref_squeeze %dma_wait3A_83 : memref<1x128xi32, #tpu.memory_space<vmem>> -> memref<128xi32, #tpu.memory_space<vmem>>
      %dma_wait3A_85 = arith.constant 0 : i32
      %dma_wait3A_86 = arith.constant 0 : i32
      %dma_wait3A_87 = tpu.memref_slice %arg10[%dma_wait3A_85, %dma_wait3A_86] : memref<10112x16xf32, #tpu.memory_space<vmem_shared>> -> memref<10112x16xf32, #tpu.memory_space<vmem_shared>>
      tpu.wait_indirect_dma semaphore(%arg11 : memref<!tpu.dma_semaphore, #tpu.memory_space<semaphore_mem>>) src(%dma_wait3A_81 : memref<128x16xf32, #tpu.memory_space<vmem>>) dst(%dma_wait3A_87 : memref<10112x16xf32, #tpu.memory_space<vmem_shared>>)
      %run_scoped3A_88 = arith.constant 0 : i32
      "tpu.region"() ({
        %run_scoped3A_127 = tpu.sem_alloc : memref<!tpu.dma_semaphore, #tpu.memory_space<semaphore_mem>>
        %dma_start3A_128 = arith.constant 0 : i32
        %dma_start3A_129 = arith.constant 0 : i32
        %dma_start3A_130 = tpu.memref_slice %arg8[%run_scoped3A_88, %dma_start3A_128, %dma_start3A_129] : memref<2x128x16xf32, #tpu.memory_space<vmem>> -> memref<1x128x16xf32, #tpu.memory_space<vmem>>
        %dma_start3A_131 = tpu.memref_squeeze %dma_start3A_130 : memref<1x128x16xf32, #tpu.memory_space<vmem>> -> memref<128x16xf32, #tpu.memory_space<vmem>>
        %dma_start3A_132 = arith.constant 0 : i32
        %dma_start3A_133 = tpu.memref_slice %arg6[%add3A_75, %dma_start3A_132] : memref<79x128xi32, #tpu.memory_space<vmem>> -> memref<1x128xi32, #tpu.memory_space<vmem>>
        %dma_start3A_134 = tpu.memref_squeeze %dma_start3A_133 : memref<1x128xi32, #tpu.memory_space<vmem>> -> memref<128xi32, #tpu.memory_space<vmem>>
        %dma_start3A_135 = arith.constant 0 : i32
        %dma_start3A_136 = arith.constant 0 : i32
        %dma_start3A_137 = tpu.memref_slice %arg9[%dma_start3A_135, %dma_start3A_136] : memref<10112x16xf32, #tpu.memory_space<vmem_shared>> -> memref<10112x16xf32, #tpu.memory_space<vmem_shared>>
        tpu.enqueue_indirect_dma source(%dma_start3A_137 : memref<10112x16xf32, #tpu.memory_space<vmem_shared>>) target(%dma_start3A_131 : memref<128x16xf32, #tpu.memory_space<vmem>>) offsets(%dma_start3A_134 : memref<128xi32, #tpu.memory_space<vmem>>) semaphore(%run_scoped3A_127 : memref<!tpu.dma_semaphore, #tpu.memory_space<semaphore_mem>>)
        %dma_wait3A_138 = arith.constant 0 : i32
        %dma_wait3A_139 = arith.constant 0 : i32
        %dma_wait3A_140 = tpu.memref_slice %arg8[%run_scoped3A_88, %dma_wait3A_138, %dma_wait3A_139] : memref<2x128x16xf32, #tpu.memory_space<vmem>> -> memref<1x128x16xf32, #tpu.memory_space<vmem>>
        %dma_wait3A_141 = tpu.memref_squeeze %dma_wait3A_140 : memref<1x128x16xf32, #tpu.memory_space<vmem>> -> memref<128x16xf32, #tpu.memory_space<vmem>>
        %dma_wait3A_142 = arith.constant 0 : i32
        %dma_wait3A_143 = tpu.memref_slice %arg6[%add3A_75, %dma_wait3A_142] : memref<79x128xi32, #tpu.memory_space<vmem>> -> memref<1x128xi32, #tpu.memory_space<vmem>>
        %dma_wait3A_144 = tpu.memref_squeeze %dma_wait3A_143 : memref<1x128xi32, #tpu.memory_space<vmem>> -> memref<128xi32, #tpu.memory_space<vmem>>
        %dma_wait3A_145 = arith.constant 0 : i32
        %dma_wait3A_146 = arith.constant 0 : i32
        %dma_wait3A_147 = tpu.memref_slice %arg9[%dma_wait3A_145, %dma_wait3A_146] : memref<10112x16xf32, #tpu.memory_space<vmem_shared>> -> memref<10112x16xf32, #tpu.memory_space<vmem_shared>>
        tpu.wait_indirect_dma semaphore(%run_scoped3A_127 : memref<!tpu.dma_semaphore, #tpu.memory_space<semaphore_mem>>) src(%dma_wait3A_147 : memref<10112x16xf32, #tpu.memory_space<vmem_shared>>) dst(%dma_wait3A_141 : memref<128x16xf32, #tpu.memory_space<vmem>>)
        tpu.yield
      }) : () -> ()
      %dma_start3A_89 = arith.constant 0 : i32
      %dma_start3A_90 = arith.constant 0 : i32
      %dma_start3A_91 = arith.constant 0 : i32
      %dma_start3A_92 = tpu.memref_slice %arg8[%dma_start3A_89, %dma_start3A_90, %dma_start3A_91] : memref<2x128x16xf32, #tpu.memory_space<vmem>> -> memref<1x128x16xf32, #tpu.memory_space<vmem>>
      %dma_start3A_93 = tpu.memref_squeeze %dma_start3A_92 : memref<1x128x16xf32, #tpu.memory_space<vmem>> -> memref<128x16xf32, #tpu.memory_space<vmem>>
      %dma_start3A_94 = arith.constant 0 : i32
      %dma_start3A_95 = tpu.memref_slice %arg7[%add3A_75, %dma_start3A_94] : memref<79x128xi32, #tpu.memory_space<vmem>> -> memref<1x128xi32, #tpu.memory_space<vmem>>
      %dma_start3A_96 = tpu.memref_squeeze %dma_start3A_95 : memref<1x128xi32, #tpu.memory_space<vmem>> -> memref<128xi32, #tpu.memory_space<vmem>>
      %dma_start3A_97 = arith.constant 0 : i32
      %dma_start3A_98 = arith.constant 0 : i32
      %dma_start3A_99 = tpu.memref_slice %arg10[%dma_start3A_97, %dma_start3A_98] : memref<10112x16xf32, #tpu.memory_space<vmem_shared>> -> memref<10112x16xf32, #tpu.memory_space<vmem_shared>>
      tpu.enqueue_indirect_dma source(%dma_start3A_93 : memref<128x16xf32, #tpu.memory_space<vmem>>) target(%dma_start3A_99 : memref<10112x16xf32, #tpu.memory_space<vmem_shared>>) offsets(%dma_start3A_96 : memref<128xi32, #tpu.memory_space<vmem>>) semaphore(%arg11 : memref<!tpu.dma_semaphore, #tpu.memory_space<semaphore_mem>>) {add = true}
      %add3A_100 = arith.constant 1 : i32
      %add3A_101 = arith.addi %mul3A_73, %add3A_100 : i32
      %sub3A_102 = arith.constant 2 : i32
      %sub3A_103 = arith.subi %add3A_101, %sub3A_102 : i32
      %dma_wait3A_104 = arith.constant 1 : i32
      %dma_wait3A_105 = arith.constant 0 : i32
      %dma_wait3A_106 = arith.constant 0 : i32
      %dma_wait3A_107 = tpu.memref_slice %arg8[%dma_wait3A_104, %dma_wait3A_105, %dma_wait3A_106] : memref<2x128x16xf32, #tpu.memory_space<vmem>> -> memref<1x128x16xf32, #tpu.memory_space<vmem>>
      %dma_wait3A_108 = tpu.memref_squeeze %dma_wait3A_107 : memref<1x128x16xf32, #tpu.memory_space<vmem>> -> memref<128x16xf32, #tpu.memory_space<vmem>>
      %dma_wait3A_109 = arith.constant 0 : i32
      %dma_wait3A_110 = tpu.memref_slice %arg7[%sub3A_103, %dma_wait3A_109] : memref<79x128xi32, #tpu.memory_space<vmem>> -> memref<1x128xi32, #tpu.memory_space<vmem>>
      %dma_wait3A_111 = tpu.memref_squeeze %dma_wait3A_110 : memref<1x128xi32, #tpu.memory_space<vmem>> -> memref<128xi32, #tpu.memory_space<vmem>>
      %dma_wait3A_112 = arith.constant 0 : i32
      %dma_wait3A_113 = arith.constant 0 : i32
      %dma_wait3A_114 = tpu.memref_slice %arg10[%dma_wait3A_112, %dma_wait3A_113] : memref<10112x16xf32, #tpu.memory_space<vmem_shared>> -> memref<10112x16xf32, #tpu.memory_space<vmem_shared>>
      tpu.wait_indirect_dma semaphore(%arg12 : memref<!tpu.dma_semaphore, #tpu.memory_space<semaphore_mem>>) src(%dma_wait3A_108 : memref<128x16xf32, #tpu.memory_space<vmem>>) dst(%dma_wait3A_114 : memref<10112x16xf32, #tpu.memory_space<vmem_shared>>)
      %run_scoped3A_115 = arith.constant 1 : i32
      "tpu.region"() ({
        %run_scoped3A_127 = tpu.sem_alloc : memref<!tpu.dma_semaphore, #tpu.memory_space<semaphore_mem>>
        %dma_start3A_128 = arith.constant 0 : i32
        %dma_start3A_129 = arith.constant 0 : i32
        %dma_start3A_130 = tpu.memref_slice %arg8[%run_scoped3A_115, %dma_start3A_128, %dma_start3A_129] : memref<2x128x16xf32, #tpu.memory_space<vmem>> -> memref<1x128x16xf32, #tpu.memory_space<vmem>>
        %dma_start3A_131 = tpu.memref_squeeze %dma_start3A_130 : memref<1x128x16xf32, #tpu.memory_space<vmem>> -> memref<128x16xf32, #tpu.memory_space<vmem>>
        %dma_start3A_132 = arith.constant 0 : i32
        %dma_start3A_133 = tpu.memref_slice %arg6[%add3A_101, %dma_start3A_132] : memref<79x128xi32, #tpu.memory_space<vmem>> -> memref<1x128xi32, #tpu.memory_space<vmem>>
        %dma_start3A_134 = tpu.memref_squeeze %dma_start3A_133 : memref<1x128xi32, #tpu.memory_space<vmem>> -> memref<128xi32, #tpu.memory_space<vmem>>
        %dma_start3A_135 = arith.constant 0 : i32
        %dma_start3A_136 = arith.constant 0 : i32
        %dma_start3A_137 = tpu.memref_slice %arg9[%dma_start3A_135, %dma_start3A_136] : memref<10112x16xf32, #tpu.memory_space<vmem_shared>> -> memref<10112x16xf32, #tpu.memory_space<vmem_shared>>
        tpu.enqueue_indirect_dma source(%dma_start3A_137 : memref<10112x16xf32, #tpu.memory_space<vmem_shared>>) target(%dma_start3A_131 : memref<128x16xf32, #tpu.memory_space<vmem>>) offsets(%dma_start3A_134 : memref<128xi32, #tpu.memory_space<vmem>>) semaphore(%run_scoped3A_127 : memref<!tpu.dma_semaphore, #tpu.memory_space<semaphore_mem>>)
        %dma_wait3A_138 = arith.constant 0 : i32
        %dma_wait3A_139 = arith.constant 0 : i32
        %dma_wait3A_140 = tpu.memref_slice %arg8[%run_scoped3A_115, %dma_wait3A_138, %dma_wait3A_139] : memref<2x128x16xf32, #tpu.memory_space<vmem>> -> memref<1x128x16xf32, #tpu.memory_space<vmem>>
        %dma_wait3A_141 = tpu.memref_squeeze %dma_wait3A_140 : memref<1x128x16xf32, #tpu.memory_space<vmem>> -> memref<128x16xf32, #tpu.memory_space<vmem>>
        %dma_wait3A_142 = arith.constant 0 : i32
        %dma_wait3A_143 = tpu.memref_slice %arg6[%add3A_101, %dma_wait3A_142] : memref<79x128xi32, #tpu.memory_space<vmem>> -> memref<1x128xi32, #tpu.memory_space<vmem>>
        %dma_wait3A_144 = tpu.memref_squeeze %dma_wait3A_143 : memref<1x128xi32, #tpu.memory_space<vmem>> -> memref<128xi32, #tpu.memory_space<vmem>>
        %dma_wait3A_145 = arith.constant 0 : i32
        %dma_wait3A_146 = arith.constant 0 : i32
        %dma_wait3A_147 = tpu.memref_slice %arg9[%dma_wait3A_145, %dma_wait3A_146] : memref<10112x16xf32, #tpu.memory_space<vmem_shared>> -> memref<10112x16xf32, #tpu.memory_space<vmem_shared>>
        tpu.wait_indirect_dma semaphore(%run_scoped3A_127 : memref<!tpu.dma_semaphore, #tpu.memory_space<semaphore_mem>>) src(%dma_wait3A_147 : memref<10112x16xf32, #tpu.memory_space<vmem_shared>>) dst(%dma_wait3A_141 : memref<128x16xf32, #tpu.memory_space<vmem>>)
        tpu.yield
      }) : () -> ()
      %dma_start3A_116 = arith.constant 1 : i32
      %dma_start3A_117 = arith.constant 0 : i32
      %dma_start3A_118 = arith.constant 0 : i32
      %dma_start3A_119 = tpu.memref_slice %arg8[%dma_start3A_116, %dma_start3A_117, %dma_start3A_118] : memref<2x128x16xf32, #tpu.memory_space<vmem>> -> memref<1x128x16xf32, #tpu.memory_space<vmem>>
      %dma_start3A_120 = tpu.memref_squeeze %dma_start3A_119 : memref<1x128x16xf32, #tpu.memory_space<vmem>> -> memref<128x16xf32, #tpu.memory_space<vmem>>
      %dma_start3A_121 = arith.constant 0 : i32
      %dma_start3A_122 = tpu.memref_slice %arg7[%add3A_101, %dma_start3A_121] : memref<79x128xi32, #tpu.memory_space<vmem>> -> memref<1x128xi32, #tpu.memory_space<vmem>>
      %dma_start3A_123 = tpu.memref_squeeze %dma_start3A_122 : memref<1x128xi32, #tpu.memory_space<vmem>> -> memref<128xi32, #tpu.memory_space<vmem>>
      %dma_start3A_124 = arith.constant 0 : i32
      %dma_start3A_125 = arith.constant 0 : i32
      %dma_start3A_126 = tpu.memref_slice %arg10[%dma_start3A_124, %dma_start3A_125] : memref<10112x16xf32, #tpu.memory_space<vmem_shared>> -> memref<10112x16xf32, #tpu.memory_space<vmem_shared>>
      tpu.enqueue_indirect_dma source(%dma_start3A_120 : memref<128x16xf32, #tpu.memory_space<vmem>>) target(%dma_start3A_126 : memref<10112x16xf32, #tpu.memory_space<vmem_shared>>) offsets(%dma_start3A_123 : memref<128xi32, #tpu.memory_space<vmem>>) semaphore(%arg12 : memref<!tpu.dma_semaphore, #tpu.memory_space<semaphore_mem>>) {add = true}
    }
    %scan3A_41 = arith.constant 38 : i32
    %dma_wait3A = arith.constant 0 : i32
    %dma_wait3A_42 = arith.constant 76 : i32
    %dma_wait3A_43 = arith.constant 0 : i32
    %dma_wait3A_44 = arith.constant 0 : i32
    %dma_wait3A_45 = tpu.memref_slice %arg8[%dma_wait3A, %dma_wait3A_43, %dma_wait3A_44] : memref<2x128x16xf32, #tpu.memory_space<vmem>> -> memref<1x128x16xf32, #tpu.memory_space<vmem>>
    %dma_wait3A_46 = tpu.memref_squeeze %dma_wait3A_45 : memref<1x128x16xf32, #tpu.memory_space<vmem>> -> memref<128x16xf32, #tpu.memory_space<vmem>>
    %dma_wait3A_47 = arith.constant 0 : i32
    %dma_wait3A_48 = tpu.memref_slice %arg7[%dma_wait3A_42, %dma_wait3A_47] : memref<79x128xi32, #tpu.memory_space<vmem>> -> memref<1x128xi32, #tpu.memory_space<vmem>>
    %dma_wait3A_49 = tpu.memref_squeeze %dma_wait3A_48 : memref<1x128xi32, #tpu.memory_space<vmem>> -> memref<128xi32, #tpu.memory_space<vmem>>
    %dma_wait3A_50 = arith.constant 0 : i32
    %dma_wait3A_51 = arith.constant 0 : i32
    %dma_wait3A_52 = tpu.memref_slice %arg10[%dma_wait3A_50, %dma_wait3A_51] : memref<10112x16xf32, #tpu.memory_space<vmem_shared>> -> memref<10112x16xf32, #tpu.memory_space<vmem_shared>>
    tpu.wait_indirect_dma semaphore(%arg11 : memref<!tpu.dma_semaphore, #tpu.memory_space<semaphore_mem>>) src(%dma_wait3A_46 : memref<128x16xf32, #tpu.memory_space<vmem>>) dst(%dma_wait3A_52 : memref<10112x16xf32, #tpu.memory_space<vmem_shared>>)
    %dma_wait3A_53 = arith.constant 1 : i32
    %dma_wait3A_54 = arith.constant 77 : i32
    %dma_wait3A_55 = arith.constant 0 : i32
    %dma_wait3A_56 = arith.constant 0 : i32
    %dma_wait3A_57 = tpu.memref_slice %arg8[%dma_wait3A_53, %dma_wait3A_55, %dma_wait3A_56] : memref<2x128x16xf32, #tpu.memory_space<vmem>> -> memref<1x128x16xf32, #tpu.memory_space<vmem>>
    %dma_wait3A_58 = tpu.memref_squeeze %dma_wait3A_57 : memref<1x128x16xf32, #tpu.memory_space<vmem>> -> memref<128x16xf32, #tpu.memory_space<vmem>>
    %dma_wait3A_59 = arith.constant 0 : i32
    %dma_wait3A_60 = tpu.memref_slice %arg7[%dma_wait3A_54, %dma_wait3A_59] : memref<79x128xi32, #tpu.memory_space<vmem>> -> memref<1x128xi32, #tpu.memory_space<vmem>>
    %dma_wait3A_61 = tpu.memref_squeeze %dma_wait3A_60 : memref<1x128xi32, #tpu.memory_space<vmem>> -> memref<128xi32, #tpu.memory_space<vmem>>
    %dma_wait3A_62 = arith.constant 0 : i32
    %dma_wait3A_63 = arith.constant 0 : i32
    %dma_wait3A_64 = tpu.memref_slice %arg10[%dma_wait3A_62, %dma_wait3A_63] : memref<10112x16xf32, #tpu.memory_space<vmem_shared>> -> memref<10112x16xf32, #tpu.memory_space<vmem_shared>>
    tpu.wait_indirect_dma semaphore(%arg12 : memref<!tpu.dma_semaphore, #tpu.memory_space<semaphore_mem>>) src(%dma_wait3A_58 : memref<128x16xf32, #tpu.memory_space<vmem>>) dst(%dma_wait3A_64 : memref<10112x16xf32, #tpu.memory_space<vmem_shared>>)
    %lt3A_65 = arith.constant 4 : i32
    %lt3A_66 = arith.cmpi slt, %add3A, %lt3A_65 : i32
    %convert_element_type3A_67 = arith.extui %lt3A_66 : i1 to i32
    %cond3A_68 = arith.constant 0 : i32
    %cond3A_69 = arith.cmpi ne, %convert_element_type3A_67, %cond3A_68 : i32
    scf.if %cond3A_69 {
      %run_scoped3A_71 = arith.constant 78 : i32
      %run_scoped3A_72 = arith.constant 0 : i32
      "tpu.region"() ({
        %run_scoped3A_75 = tpu.sem_alloc : memref<!tpu.dma_semaphore, #tpu.memory_space<semaphore_mem>>
        %dma_start3A_76 = arith.constant 0 : i32
        %dma_start3A_77 = arith.constant 0 : i32
        %dma_start3A_78 = tpu.memref_slice %arg8[%run_scoped3A_72, %dma_start3A_76, %dma_start3A_77] : memref<2x128x16xf32, #tpu.memory_space<vmem>> -> memref<1x128x16xf32, #tpu.memory_space<vmem>>
        %dma_start3A_79 = tpu.memref_squeeze %dma_start3A_78 : memref<1x128x16xf32, #tpu.memory_space<vmem>> -> memref<128x16xf32, #tpu.memory_space<vmem>>
        %dma_start3A_80 = arith.constant 0 : i32
        %dma_start3A_81 = tpu.memref_slice %arg6[%run_scoped3A_71, %dma_start3A_80] : memref<79x128xi32, #tpu.memory_space<vmem>> -> memref<1x128xi32, #tpu.memory_space<vmem>>
        %dma_start3A_82 = tpu.memref_squeeze %dma_start3A_81 : memref<1x128xi32, #tpu.memory_space<vmem>> -> memref<128xi32, #tpu.memory_space<vmem>>
        %dma_start3A_83 = arith.constant 0 : i32
        %dma_start3A_84 = arith.constant 0 : i32
        %dma_start3A_85 = tpu.memref_slice %arg9[%dma_start3A_83, %dma_start3A_84] : memref<10112x16xf32, #tpu.memory_space<vmem_shared>> -> memref<10112x16xf32, #tpu.memory_space<vmem_shared>>
        tpu.enqueue_indirect_dma source(%dma_start3A_85 : memref<10112x16xf32, #tpu.memory_space<vmem_shared>>) target(%dma_start3A_79 : memref<128x16xf32, #tpu.memory_space<vmem>>) offsets(%dma_start3A_82 : memref<128xi32, #tpu.memory_space<vmem>>) semaphore(%run_scoped3A_75 : memref<!tpu.dma_semaphore, #tpu.memory_space<semaphore_mem>>)
        %dma_wait3A_86 = arith.constant 0 : i32
        %dma_wait3A_87 = arith.constant 0 : i32
        %dma_wait3A_88 = tpu.memref_slice %arg8[%run_scoped3A_72, %dma_wait3A_86, %dma_wait3A_87] : memref<2x128x16xf32, #tpu.memory_space<vmem>> -> memref<1x128x16xf32, #tpu.memory_space<vmem>>
        %dma_wait3A_89 = tpu.memref_squeeze %dma_wait3A_88 : memref<1x128x16xf32, #tpu.memory_space<vmem>> -> memref<128x16xf32, #tpu.memory_space<vmem>>
        %dma_wait3A_90 = arith.constant 0 : i32
        %dma_wait3A_91 = tpu.memref_slice %arg6[%run_scoped3A_71, %dma_wait3A_90] : memref<79x128xi32, #tpu.memory_space<vmem>> -> memref<1x128xi32, #tpu.memory_space<vmem>>
        %dma_wait3A_92 = tpu.memref_squeeze %dma_wait3A_91 : memref<1x128xi32, #tpu.memory_space<vmem>> -> memref<128xi32, #tpu.memory_space<vmem>>
        %dma_wait3A_93 = arith.constant 0 : i32
        %dma_wait3A_94 = arith.constant 0 : i32
        %dma_wait3A_95 = tpu.memref_slice %arg9[%dma_wait3A_93, %dma_wait3A_94] : memref<10112x16xf32, #tpu.memory_space<vmem_shared>> -> memref<10112x16xf32, #tpu.memory_space<vmem_shared>>
        tpu.wait_indirect_dma semaphore(%run_scoped3A_75 : memref<!tpu.dma_semaphore, #tpu.memory_space<semaphore_mem>>) src(%dma_wait3A_95 : memref<10112x16xf32, #tpu.memory_space<vmem_shared>>) dst(%dma_wait3A_89 : memref<128x16xf32, #tpu.memory_space<vmem>>)
        tpu.yield
      }) : () -> ()
      %run_scoped3A_73 = arith.constant 0 : i32
      %run_scoped3A_74 = arith.constant 78 : i32
      "tpu.region"() ({
        %run_scoped3A_75 = tpu.sem_alloc : memref<!tpu.dma_semaphore, #tpu.memory_space<semaphore_mem>>
        %dma_start3A_76 = arith.constant 0 : i32
        %dma_start3A_77 = arith.constant 0 : i32
        %dma_start3A_78 = tpu.memref_slice %arg8[%run_scoped3A_73, %dma_start3A_76, %dma_start3A_77] : memref<2x128x16xf32, #tpu.memory_space<vmem>> -> memref<1x128x16xf32, #tpu.memory_space<vmem>>
        %dma_start3A_79 = tpu.memref_squeeze %dma_start3A_78 : memref<1x128x16xf32, #tpu.memory_space<vmem>> -> memref<128x16xf32, #tpu.memory_space<vmem>>
        %dma_start3A_80 = arith.constant 0 : i32
        %dma_start3A_81 = tpu.memref_slice %arg7[%run_scoped3A_74, %dma_start3A_80] : memref<79x128xi32, #tpu.memory_space<vmem>> -> memref<1x128xi32, #tpu.memory_space<vmem>>
        %dma_start3A_82 = tpu.memref_squeeze %dma_start3A_81 : memref<1x128xi32, #tpu.memory_space<vmem>> -> memref<128xi32, #tpu.memory_space<vmem>>
        %dma_start3A_83 = arith.constant 0 : i32
        %dma_start3A_84 = arith.constant 0 : i32
        %dma_start3A_85 = tpu.memref_slice %arg10[%dma_start3A_83, %dma_start3A_84] : memref<10112x16xf32, #tpu.memory_space<vmem_shared>> -> memref<10112x16xf32, #tpu.memory_space<vmem_shared>>
        tpu.enqueue_indirect_dma source(%dma_start3A_79 : memref<128x16xf32, #tpu.memory_space<vmem>>) target(%dma_start3A_85 : memref<10112x16xf32, #tpu.memory_space<vmem_shared>>) offsets(%dma_start3A_82 : memref<128xi32, #tpu.memory_space<vmem>>) semaphore(%run_scoped3A_75 : memref<!tpu.dma_semaphore, #tpu.memory_space<semaphore_mem>>) {add = true}
        %dma_wait3A_86 = arith.constant 0 : i32
        %dma_wait3A_87 = arith.constant 0 : i32
        %dma_wait3A_88 = tpu.memref_slice %arg8[%run_scoped3A_73, %dma_wait3A_86, %dma_wait3A_87] : memref<2x128x16xf32, #tpu.memory_space<vmem>> -> memref<1x128x16xf32, #tpu.memory_space<vmem>>
        %dma_wait3A_89 = tpu.memref_squeeze %dma_wait3A_88 : memref<1x128x16xf32, #tpu.memory_space<vmem>> -> memref<128x16xf32, #tpu.memory_space<vmem>>
        %dma_wait3A_90 = arith.constant 0 : i32
        %dma_wait3A_91 = tpu.memref_slice %arg7[%run_scoped3A_74, %dma_wait3A_90] : memref<79x128xi32, #tpu.memory_space<vmem>> -> memref<1x128xi32, #tpu.memory_space<vmem>>
        %dma_wait3A_92 = tpu.memref_squeeze %dma_wait3A_91 : memref<1x128xi32, #tpu.memory_space<vmem>> -> memref<128xi32, #tpu.memory_space<vmem>>
        %dma_wait3A_93 = arith.constant 0 : i32
        %dma_wait3A_94 = arith.constant 0 : i32
        %dma_wait3A_95 = tpu.memref_slice %arg10[%dma_wait3A_93, %dma_wait3A_94] : memref<10112x16xf32, #tpu.memory_space<vmem_shared>> -> memref<10112x16xf32, #tpu.memory_space<vmem_shared>>
        tpu.wait_indirect_dma semaphore(%run_scoped3A_75 : memref<!tpu.dma_semaphore, #tpu.memory_space<semaphore_mem>>) src(%dma_wait3A_89 : memref<128x16xf32, #tpu.memory_space<vmem>>) dst(%dma_wait3A_95 : memref<10112x16xf32, #tpu.memory_space<vmem_shared>>)
        tpu.yield
      }) : () -> ()
    } else {
    }
    %barrier3A_70 = arith.constant 0 : index
    tpu.barrier barrier_id(%barrier3A_70)
    "tpu.region"() ({
      %run_scoped3A_71 = tpu.sem_alloc : memref<!tpu.dma_semaphore, #tpu.memory_space<semaphore_mem>>
      %dma_start3A_72 = arith.constant 0 : i32
      %dma_start3A_73 = tpu.memref_slice %arg5[%arg0, %mul3A_2, %dma_start3A_72] : memref<2x10112x16xf32, #tpu.memory_space<hbm>> -> memref<1x632x16xf32, #tpu.memory_space<hbm>>
      %dma_start3A_74 = tpu.memref_squeeze %dma_start3A_73 : memref<1x632x16xf32, #tpu.memory_space<hbm>> -> memref<632x16xf32, #tpu.memory_space<hbm>>
      %dma_start3A_75 = arith.constant 0 : i32
      %dma_start3A_76 = tpu.memref_slice %arg10[%mul3A_2, %dma_start3A_75] : memref<10112x16xf32, #tpu.memory_space<vmem_shared>> -> memref<632x16xf32, #tpu.memory_space<vmem_shared>>
      tpu.enqueue_dma source(%dma_start3A_76 : memref<632x16xf32, #tpu.memory_space<vmem_shared>>) target(%dma_start3A_74 : memref<632x16xf32, #tpu.memory_space<hbm>>) target_semaphore(%run_scoped3A_71 : memref<!tpu.dma_semaphore, #tpu.memory_space<semaphore_mem>>)
      %dma_wait3A_77 = arith.constant 0 : i32
      %dma_wait3A_78 = tpu.memref_slice %arg5[%arg0, %mul3A_2, %dma_wait3A_77] : memref<2x10112x16xf32, #tpu.memory_space<hbm>> -> memref<1x632x16xf32, #tpu.memory_space<hbm>>
      %dma_wait3A_79 = tpu.memref_squeeze %dma_wait3A_78 : memref<1x632x16xf32, #tpu.memory_space<hbm>> -> memref<632x16xf32, #tpu.memory_space<hbm>>
      %dma_wait3A_80 = arith.constant 0 : i32
      %dma_wait3A_81 = tpu.memref_slice %arg10[%mul3A_2, %dma_wait3A_80] : memref<10112x16xf32, #tpu.memory_space<vmem_shared>> -> memref<632x16xf32, #tpu.memory_space<vmem_shared>>
      tpu.wait_dma2 semaphore(%run_scoped3A_71 : memref<!tpu.dma_semaphore, #tpu.memory_space<semaphore_mem>>) src(%dma_wait3A_81 : memref<632x16xf32, #tpu.memory_space<vmem_shared>>) dst(%dma_wait3A_79 : memref<632x16xf32, #tpu.memory_space<hbm>>)
      tpu.yield
    }) : () -> ()
    return
  }
}

#map = affine_map<(d0, d1) -> (0, 0)>
#map1 = affine_map<(d0, d1) -> (0, 0, 0)>
module attributes {stable_mosaic.version = 14 : i64} {
  func.func @_sc_aggregate(%arg0: i32, %arg1: i32, %arg2: memref<10112x16xf32, #tpu.memory_space<hbm>>, %arg3: memref<5000x128xi32, #tpu.memory_space<hbm>>, %arg4: memref<10112x16xf32, #tpu.memory_space<hbm>>, %arg5: memref<2x10112x16xf32, #tpu.memory_space<hbm>>, %arg6: memref<79x128xi32, #tpu.memory_space<vmem>>, %arg7: memref<79x128xi32, #tpu.memory_space<vmem>>, %arg8: memref<2x128x16xf32, #tpu.memory_space<vmem>>, %arg9: memref<10112x16xf32, #tpu.memory_space<vmem_shared>>, %arg10: memref<10112x16xf32, #tpu.memory_space<vmem_shared>>, %arg11: memref<!tpu.dma_semaphore, #tpu.memory_space<semaphore_mem>>, %arg12: memref<!tpu.dma_semaphore, #tpu.memory_space<semaphore_mem>>) attributes {dimension_semantics = [#tpu.dimension_semantics<core_parallel>, #tpu.dimension_semantics<subcore_parallel>], iteration_bounds = array<i64: 2, 16>, scalar_prefetch = 0 : i64, scratch_operands = 7 : i64, tpu.core_type = #tpu.core_type<sc_vector_subcore>, window_params = [{transform_indices = #map}, {transform_indices = #map}, {transform_indices = #map}, {transform_indices = #map1}]} {
    %mul3A = arith.constant 2 : i32
    %mul3A_0 = arith.muli %arg1, %mul3A : i32
    %add3A = arith.addi %mul3A_0, %arg0 : i32
    %mul3A_1 = arith.constant 632 : i32
    %mul3A_2 = arith.muli %arg1, %mul3A_1 : i32
    "tpu.region"() ({
      %run_scoped3A_71 = tpu.sem_alloc : memref<!tpu.dma_semaphore, #tpu.memory_space<semaphore_mem>>
      %dma_start3A_72 = arith.constant 0 : i32
      %dma_start3A_73 = tpu.memref_slice %arg10[%mul3A_2, %dma_start3A_72] : memref<10112x16xf32, #tpu.memory_space<vmem_shared>> -> memref<632x16xf32, #tpu.memory_space<vmem_shared>>
      %dma_start3A_74 = arith.constant 0 : i32
      %dma_start3A_75 = tpu.memref_slice %arg4[%mul3A_2, %dma_start3A_74] : memref<10112x16xf32, #tpu.memory_space<hbm>> -> memref<632x16xf32, #tpu.memory_space<hbm>>
      tpu.enqueue_dma source(%dma_start3A_75 : memref<632x16xf32, #tpu.memory_space<hbm>>) target(%dma_start3A_73 : memref<632x16xf32, #tpu.memory_space<vmem_shared>>) target_semaphore(%run_scoped3A_71 : memref<!tpu.dma_semaphore, #tpu.memory_space<semaphore_mem>>)
      %dma_wait3A_76 = arith.constant 0 : i32
      %dma_wait3A_77 = tpu.memref_slice %arg10[%mul3A_2, %dma_wait3A_76] : memref<10112x16xf32, #tpu.memory_space<vmem_shared>> -> memref<632x16xf32, #tpu.memory_space<vmem_shared>>
      %dma_wait3A_78 = arith.constant 0 : i32
      %dma_wait3A_79 = tpu.memref_slice %arg4[%mul3A_2, %dma_wait3A_78] : memref<10112x16xf32, #tpu.memory_space<hbm>> -> memref<632x16xf32, #tpu.memory_space<hbm>>
      tpu.wait_dma2 semaphore(%run_scoped3A_71 : memref<!tpu.dma_semaphore, #tpu.memory_space<semaphore_mem>>) src(%dma_wait3A_79 : memref<632x16xf32, #tpu.memory_space<hbm>>) dst(%dma_wait3A_77 : memref<632x16xf32, #tpu.memory_space<vmem_shared>>)
      tpu.yield
    }) : () -> ()
    "tpu.region"() ({
      %run_scoped3A_71 = tpu.sem_alloc : memref<!tpu.dma_semaphore, #tpu.memory_space<semaphore_mem>>
      %dma_start3A_72 = arith.constant 0 : i32
      %dma_start3A_73 = tpu.memref_slice %arg9[%mul3A_2, %dma_start3A_72] : memref<10112x16xf32, #tpu.memory_space<vmem_shared>> -> memref<632x16xf32, #tpu.memory_space<vmem_shared>>
      %dma_start3A_74 = arith.constant 0 : i32
      %dma_start3A_75 = tpu.memref_slice %arg2[%mul3A_2, %dma_start3A_74] : memref<10112x16xf32, #tpu.memory_space<hbm>> -> memref<632x16xf32, #tpu.memory_space<hbm>>
      tpu.enqueue_dma source(%dma_start3A_75 : memref<632x16xf32, #tpu.memory_space<hbm>>) target(%dma_start3A_73 : memref<632x16xf32, #tpu.memory_space<vmem_shared>>) target_semaphore(%run_scoped3A_71 : memref<!tpu.dma_semaphore, #tpu.memory_space<semaphore_mem>>)
      %dma_wait3A_76 = arith.constant 0 : i32
      %dma_wait3A_77 = tpu.memref_slice %arg9[%mul3A_2, %dma_wait3A_76] : memref<10112x16xf32, #tpu.memory_space<vmem_shared>> -> memref<632x16xf32, #tpu.memory_space<vmem_shared>>
      %dma_wait3A_78 = arith.constant 0 : i32
      %dma_wait3A_79 = tpu.memref_slice %arg2[%mul3A_2, %dma_wait3A_78] : memref<10112x16xf32, #tpu.memory_space<hbm>> -> memref<632x16xf32, #tpu.memory_space<hbm>>
      tpu.wait_dma2 semaphore(%run_scoped3A_71 : memref<!tpu.dma_semaphore, #tpu.memory_space<semaphore_mem>>) src(%dma_wait3A_79 : memref<632x16xf32, #tpu.memory_space<hbm>>) dst(%dma_wait3A_77 : memref<632x16xf32, #tpu.memory_space<vmem_shared>>)
      tpu.yield
    }) : () -> ()
    %mul3A_3 = arith.constant 78 : i32
    %mul3A_4 = arith.muli %add3A, %mul3A_3 : i32
    "tpu.region"() ({
      %run_scoped3A_71 = tpu.sem_alloc : memref<!tpu.dma_semaphore, #tpu.memory_space<semaphore_mem>>
      %dma_start3A_72 = arith.constant 0 : i32
      %dma_start3A_73 = arith.constant 0 : i32
      %dma_start3A_74 = tpu.memref_slice %arg6[%dma_start3A_72, %dma_start3A_73] : memref<79x128xi32, #tpu.memory_space<vmem>> -> memref<78x128xi32, #tpu.memory_space<vmem>>
      %dma_start3A_75 = arith.constant 0 : i32
      %dma_start3A_76 = tpu.memref_slice %arg3[%mul3A_4, %dma_start3A_75] : memref<5000x128xi32, #tpu.memory_space<hbm>> -> memref<78x128xi32, #tpu.memory_space<hbm>>
      %dma_start3A_77 = arith.constant 0 : i32
      %dma_start3A_78 = arith.constant 0 : i32
      %dma_start3A_79 = tpu.memref_slice %arg6[%dma_start3A_77, %dma_start3A_78] : memref<79x128xi32, #tpu.memory_space<vmem>> -> memref<78x128xi32, #tpu.memory_space<vmem>>
      %dma_start3A_80 = arith.constant 0 : i32
      %dma_start3A_81 = tpu.memref_slice %arg3[%mul3A_4, %dma_start3A_80] : memref<5000x128xi32, #tpu.memory_space<hbm>> -> memref<78x128xi32, #tpu.memory_space<hbm>>
      tpu.enqueue_dma source(%dma_start3A_81 : memref<78x128xi32, #tpu.memory_space<hbm>>) target(%dma_start3A_79 : memref<78x128xi32, #tpu.memory_space<vmem>>) target_semaphore(%run_scoped3A_71 : memref<!tpu.dma_semaphore, #tpu.memory_space<semaphore_mem>>)
      %dma_wait3A_82 = arith.constant 0 : i32
      %dma_wait3A_83 = arith.constant 0 : i32
      %dma_wait3A_84 = tpu.memref_slice %arg6[%dma_wait3A_82, %dma_wait3A_83] : memref<79x128xi32, #tpu.memory_space<vmem>> -> memref<78x128xi32, #tpu.memory_space<vmem>>
      %dma_wait3A_85 = arith.constant 0 : i32
      %dma_wait3A_86 = tpu.memref_slice %arg3[%mul3A_4, %dma_wait3A_85] : memref<5000x128xi32, #tpu.memory_space<hbm>> -> memref<78x128xi32, #tpu.memory_space<hbm>>
      %dma_wait3A_87 = arith.constant 0 : i32
      %dma_wait3A_88 = arith.constant 0 : i32
      %dma_wait3A_89 = tpu.memref_slice %arg6[%dma_wait3A_87, %dma_wait3A_88] : memref<79x128xi32, #tpu.memory_space<vmem>> -> memref<78x128xi32, #tpu.memory_space<vmem>>
      %dma_wait3A_90 = arith.constant 0 : i32
      %dma_wait3A_91 = tpu.memref_slice %arg3[%mul3A_4, %dma_wait3A_90] : memref<5000x128xi32, #tpu.memory_space<hbm>> -> memref<78x128xi32, #tpu.memory_space<hbm>>
      tpu.wait_dma2 semaphore(%run_scoped3A_71 : memref<!tpu.dma_semaphore, #tpu.memory_space<semaphore_mem>>) src(%dma_wait3A_91 : memref<78x128xi32, #tpu.memory_space<hbm>>) dst(%dma_wait3A_89 : memref<78x128xi32, #tpu.memory_space<vmem>>)
      tpu.yield
    }) : () -> ()
    %mul3A_5 = arith.constant 78 : i32
    %mul3A_6 = arith.muli %add3A, %mul3A_5 : i32
    %add3A_7 = arith.constant 2500 : i32
    %add3A_8 = arith.addi %add3A_7, %mul3A_6 : i32
    "tpu.region"() ({
      %run_scoped3A_71 = tpu.sem_alloc : memref<!tpu.dma_semaphore, #tpu.memory_space<semaphore_mem>>
      %dma_start3A_72 = arith.constant 0 : i32
      %dma_start3A_73 = arith.constant 0 : i32
      %dma_start3A_74 = tpu.memref_slice %arg7[%dma_start3A_72, %dma_start3A_73] : memref<79x128xi32, #tpu.memory_space<vmem>> -> memref<78x128xi32, #tpu.memory_space<vmem>>
      %dma_start3A_75 = arith.constant 0 : i32
      %dma_start3A_76 = tpu.memref_slice %arg3[%add3A_8, %dma_start3A_75] : memref<5000x128xi32, #tpu.memory_space<hbm>> -> memref<78x128xi32, #tpu.memory_space<hbm>>
      %dma_start3A_77 = arith.constant 0 : i32
      %dma_start3A_78 = arith.constant 0 : i32
      %dma_start3A_79 = tpu.memref_slice %arg7[%dma_start3A_77, %dma_start3A_78] : memref<79x128xi32, #tpu.memory_space<vmem>> -> memref<78x128xi32, #tpu.memory_space<vmem>>
      %dma_start3A_80 = arith.constant 0 : i32
      %dma_start3A_81 = tpu.memref_slice %arg3[%add3A_8, %dma_start3A_80] : memref<5000x128xi32, #tpu.memory_space<hbm>> -> memref<78x128xi32, #tpu.memory_space<hbm>>
      tpu.enqueue_dma source(%dma_start3A_81 : memref<78x128xi32, #tpu.memory_space<hbm>>) target(%dma_start3A_79 : memref<78x128xi32, #tpu.memory_space<vmem>>) target_semaphore(%run_scoped3A_71 : memref<!tpu.dma_semaphore, #tpu.memory_space<semaphore_mem>>)
      %dma_wait3A_82 = arith.constant 0 : i32
      %dma_wait3A_83 = arith.constant 0 : i32
      %dma_wait3A_84 = tpu.memref_slice %arg7[%dma_wait3A_82, %dma_wait3A_83] : memref<79x128xi32, #tpu.memory_space<vmem>> -> memref<78x128xi32, #tpu.memory_space<vmem>>
      %dma_wait3A_85 = arith.constant 0 : i32
      %dma_wait3A_86 = tpu.memref_slice %arg3[%add3A_8, %dma_wait3A_85] : memref<5000x128xi32, #tpu.memory_space<hbm>> -> memref<78x128xi32, #tpu.memory_space<hbm>>
      %dma_wait3A_87 = arith.constant 0 : i32
      %dma_wait3A_88 = arith.constant 0 : i32
      %dma_wait3A_89 = tpu.memref_slice %arg7[%dma_wait3A_87, %dma_wait3A_88] : memref<79x128xi32, #tpu.memory_space<vmem>> -> memref<78x128xi32, #tpu.memory_space<vmem>>
      %dma_wait3A_90 = arith.constant 0 : i32
      %dma_wait3A_91 = tpu.memref_slice %arg3[%add3A_8, %dma_wait3A_90] : memref<5000x128xi32, #tpu.memory_space<hbm>> -> memref<78x128xi32, #tpu.memory_space<hbm>>
      tpu.wait_dma2 semaphore(%run_scoped3A_71 : memref<!tpu.dma_semaphore, #tpu.memory_space<semaphore_mem>>) src(%dma_wait3A_91 : memref<78x128xi32, #tpu.memory_space<hbm>>) dst(%dma_wait3A_89 : memref<78x128xi32, #tpu.memory_space<vmem>>)
      tpu.yield
    }) : () -> ()
    %lt3A = arith.constant 4 : i32
    %lt3A_9 = arith.cmpi slt, %add3A, %lt3A : i32
    %convert_element_type3A = arith.extui %lt3A_9 : i1 to i32
    %cond3A = arith.constant 0 : i32
    %cond3A_10 = arith.cmpi ne, %convert_element_type3A, %cond3A : i32
    scf.if %cond3A_10 {
      %add3A_71 = arith.constant 2496 : i32
      %add3A_72 = arith.addi %add3A_71, %add3A : i32
      "tpu.region"() ({
        %run_scoped3A_75 = tpu.sem_alloc : memref<!tpu.dma_semaphore, #tpu.memory_space<semaphore_mem>>
        %dma_start3A_76 = arith.constant 78 : i32
        %dma_start3A_77 = arith.constant 0 : i32
        %dma_start3A_78 = tpu.memref_slice %arg6[%dma_start3A_76, %dma_start3A_77] : memref<79x128xi32, #tpu.memory_space<vmem>> -> memref<1x128xi32, #tpu.memory_space<vmem>>
        %dma_start3A_79 = arith.constant 0 : i32
        %dma_start3A_80 = tpu.memref_slice %arg3[%add3A_72, %dma_start3A_79] : memref<5000x128xi32, #tpu.memory_space<hbm>> -> memref<1x128xi32, #tpu.memory_space<hbm>>
        %dma_start3A_81 = arith.constant 78 : i32
        %dma_start3A_82 = arith.constant 0 : i32
        %dma_start3A_83 = tpu.memref_slice %arg6[%dma_start3A_81, %dma_start3A_82] : memref<79x128xi32, #tpu.memory_space<vmem>> -> memref<1x128xi32, #tpu.memory_space<vmem>>
        %dma_start3A_84 = arith.constant 0 : i32
        %dma_start3A_85 = tpu.memref_slice %arg3[%add3A_72, %dma_start3A_84] : memref<5000x128xi32, #tpu.memory_space<hbm>> -> memref<1x128xi32, #tpu.memory_space<hbm>>
        tpu.enqueue_dma source(%dma_start3A_85 : memref<1x128xi32, #tpu.memory_space<hbm>>) target(%dma_start3A_83 : memref<1x128xi32, #tpu.memory_space<vmem>>) target_semaphore(%run_scoped3A_75 : memref<!tpu.dma_semaphore, #tpu.memory_space<semaphore_mem>>)
        %dma_wait3A_86 = arith.constant 78 : i32
        %dma_wait3A_87 = arith.constant 0 : i32
        %dma_wait3A_88 = tpu.memref_slice %arg6[%dma_wait3A_86, %dma_wait3A_87] : memref<79x128xi32, #tpu.memory_space<vmem>> -> memref<1x128xi32, #tpu.memory_space<vmem>>
        %dma_wait3A_89 = arith.constant 0 : i32
        %dma_wait3A_90 = tpu.memref_slice %arg3[%add3A_72, %dma_wait3A_89] : memref<5000x128xi32, #tpu.memory_space<hbm>> -> memref<1x128xi32, #tpu.memory_space<hbm>>
        %dma_wait3A_91 = arith.constant 78 : i32
        %dma_wait3A_92 = arith.constant 0 : i32
        %dma_wait3A_93 = tpu.memref_slice %arg6[%dma_wait3A_91, %dma_wait3A_92] : memref<79x128xi32, #tpu.memory_space<vmem>> -> memref<1x128xi32, #tpu.memory_space<vmem>>
        %dma_wait3A_94 = arith.constant 0 : i32
        %dma_wait3A_95 = tpu.memref_slice %arg3[%add3A_72, %dma_wait3A_94] : memref<5000x128xi32, #tpu.memory_space<hbm>> -> memref<1x128xi32, #tpu.memory_space<hbm>>
        tpu.wait_dma2 semaphore(%run_scoped3A_75 : memref<!tpu.dma_semaphore, #tpu.memory_space<semaphore_mem>>) src(%dma_wait3A_95 : memref<1x128xi32, #tpu.memory_space<hbm>>) dst(%dma_wait3A_93 : memref<1x128xi32, #tpu.memory_space<vmem>>)
        tpu.yield
      }) : () -> ()
      %add3A_73 = arith.constant 4996 : i32
      %add3A_74 = arith.addi %add3A_73, %add3A : i32
      "tpu.region"() ({
        %run_scoped3A_75 = tpu.sem_alloc : memref<!tpu.dma_semaphore, #tpu.memory_space<semaphore_mem>>
        %dma_start3A_76 = arith.constant 78 : i32
        %dma_start3A_77 = arith.constant 0 : i32
        %dma_start3A_78 = tpu.memref_slice %arg7[%dma_start3A_76, %dma_start3A_77] : memref<79x128xi32, #tpu.memory_space<vmem>> -> memref<1x128xi32, #tpu.memory_space<vmem>>
        %dma_start3A_79 = arith.constant 0 : i32
        %dma_start3A_80 = tpu.memref_slice %arg3[%add3A_74, %dma_start3A_79] : memref<5000x128xi32, #tpu.memory_space<hbm>> -> memref<1x128xi32, #tpu.memory_space<hbm>>
        %dma_start3A_81 = arith.constant 78 : i32
        %dma_start3A_82 = arith.constant 0 : i32
        %dma_start3A_83 = tpu.memref_slice %arg7[%dma_start3A_81, %dma_start3A_82] : memref<79x128xi32, #tpu.memory_space<vmem>> -> memref<1x128xi32, #tpu.memory_space<vmem>>
        %dma_start3A_84 = arith.constant 0 : i32
        %dma_start3A_85 = tpu.memref_slice %arg3[%add3A_74, %dma_start3A_84] : memref<5000x128xi32, #tpu.memory_space<hbm>> -> memref<1x128xi32, #tpu.memory_space<hbm>>
        tpu.enqueue_dma source(%dma_start3A_85 : memref<1x128xi32, #tpu.memory_space<hbm>>) target(%dma_start3A_83 : memref<1x128xi32, #tpu.memory_space<vmem>>) target_semaphore(%run_scoped3A_75 : memref<!tpu.dma_semaphore, #tpu.memory_space<semaphore_mem>>)
        %dma_wait3A_86 = arith.constant 78 : i32
        %dma_wait3A_87 = arith.constant 0 : i32
        %dma_wait3A_88 = tpu.memref_slice %arg7[%dma_wait3A_86, %dma_wait3A_87] : memref<79x128xi32, #tpu.memory_space<vmem>> -> memref<1x128xi32, #tpu.memory_space<vmem>>
        %dma_wait3A_89 = arith.constant 0 : i32
        %dma_wait3A_90 = tpu.memref_slice %arg3[%add3A_74, %dma_wait3A_89] : memref<5000x128xi32, #tpu.memory_space<hbm>> -> memref<1x128xi32, #tpu.memory_space<hbm>>
        %dma_wait3A_91 = arith.constant 78 : i32
        %dma_wait3A_92 = arith.constant 0 : i32
        %dma_wait3A_93 = tpu.memref_slice %arg7[%dma_wait3A_91, %dma_wait3A_92] : memref<79x128xi32, #tpu.memory_space<vmem>> -> memref<1x128xi32, #tpu.memory_space<vmem>>
        %dma_wait3A_94 = arith.constant 0 : i32
        %dma_wait3A_95 = tpu.memref_slice %arg3[%add3A_74, %dma_wait3A_94] : memref<5000x128xi32, #tpu.memory_space<hbm>> -> memref<1x128xi32, #tpu.memory_space<hbm>>
        tpu.wait_dma2 semaphore(%run_scoped3A_75 : memref<!tpu.dma_semaphore, #tpu.memory_space<semaphore_mem>>) src(%dma_wait3A_95 : memref<1x128xi32, #tpu.memory_space<hbm>>) dst(%dma_wait3A_93 : memref<1x128xi32, #tpu.memory_space<vmem>>)
        tpu.yield
      }) : () -> ()
    } else {
    }
    %barrier3A = arith.constant 0 : index
    tpu.barrier barrier_id(%barrier3A)
    %run_scoped3A = arith.constant 0 : i32
    %run_scoped3A_11 = arith.constant 0 : i32
    "tpu.region"() ({
      %run_scoped3A_71 = tpu.sem_alloc : memref<!tpu.dma_semaphore, #tpu.memory_space<semaphore_mem>>
      %dma_start3A_72 = arith.constant 0 : i32
      %dma_start3A_73 = arith.constant 0 : i32
      %dma_start3A_74 = tpu.memref_slice %arg8[%run_scoped3A_11, %dma_start3A_72, %dma_start3A_73] : memref<2x128x16xf32, #tpu.memory_space<vmem>> -> memref<1x128x16xf32, #tpu.memory_space<vmem>>
      %dma_start3A_75 = tpu.memref_squeeze %dma_start3A_74 : memref<1x128x16xf32, #tpu.memory_space<vmem>> -> memref<128x16xf32, #tpu.memory_space<vmem>>
      %dma_start3A_76 = arith.constant 0 : i32
      %dma_start3A_77 = tpu.memref_slice %arg6[%run_scoped3A, %dma_start3A_76] : memref<79x128xi32, #tpu.memory_space<vmem>> -> memref<1x128xi32, #tpu.memory_space<vmem>>
      %dma_start3A_78 = tpu.memref_squeeze %dma_start3A_77 : memref<1x128xi32, #tpu.memory_space<vmem>> -> memref<128xi32, #tpu.memory_space<vmem>>
      %dma_start3A_79 = arith.constant 0 : i32
      %dma_start3A_80 = arith.constant 0 : i32
      %dma_start3A_81 = tpu.memref_slice %arg9[%dma_start3A_79, %dma_start3A_80] : memref<10112x16xf32, #tpu.memory_space<vmem_shared>> -> memref<10112x16xf32, #tpu.memory_space<vmem_shared>>
      tpu.enqueue_indirect_dma source(%dma_start3A_81 : memref<10112x16xf32, #tpu.memory_space<vmem_shared>>) target(%dma_start3A_75 : memref<128x16xf32, #tpu.memory_space<vmem>>) offsets(%dma_start3A_78 : memref<128xi32, #tpu.memory_space<vmem>>) semaphore(%run_scoped3A_71 : memref<!tpu.dma_semaphore, #tpu.memory_space<semaphore_mem>>)
      %dma_wait3A_82 = arith.constant 0 : i32
      %dma_wait3A_83 = arith.constant 0 : i32
      %dma_wait3A_84 = tpu.memref_slice %arg8[%run_scoped3A_11, %dma_wait3A_82, %dma_wait3A_83] : memref<2x128x16xf32, #tpu.memory_space<vmem>> -> memref<1x128x16xf32, #tpu.memory_space<vmem>>
      %dma_wait3A_85 = tpu.memref_squeeze %dma_wait3A_84 : memref<1x128x16xf32, #tpu.memory_space<vmem>> -> memref<128x16xf32, #tpu.memory_space<vmem>>
      %dma_wait3A_86 = arith.constant 0 : i32
      %dma_wait3A_87 = tpu.memref_slice %arg6[%run_scoped3A, %dma_wait3A_86] : memref<79x128xi32, #tpu.memory_space<vmem>> -> memref<1x128xi32, #tpu.memory_space<vmem>>
      %dma_wait3A_88 = tpu.memref_squeeze %dma_wait3A_87 : memref<1x128xi32, #tpu.memory_space<vmem>> -> memref<128xi32, #tpu.memory_space<vmem>>
      %dma_wait3A_89 = arith.constant 0 : i32
      %dma_wait3A_90 = arith.constant 0 : i32
      %dma_wait3A_91 = tpu.memref_slice %arg9[%dma_wait3A_89, %dma_wait3A_90] : memref<10112x16xf32, #tpu.memory_space<vmem_shared>> -> memref<10112x16xf32, #tpu.memory_space<vmem_shared>>
      tpu.wait_indirect_dma semaphore(%run_scoped3A_71 : memref<!tpu.dma_semaphore, #tpu.memory_space<semaphore_mem>>) src(%dma_wait3A_91 : memref<10112x16xf32, #tpu.memory_space<vmem_shared>>) dst(%dma_wait3A_85 : memref<128x16xf32, #tpu.memory_space<vmem>>)
      tpu.yield
    }) : () -> ()
    %dma_start3A = arith.constant 0 : i32
    %dma_start3A_12 = arith.constant 0 : i32
    %dma_start3A_13 = arith.constant 0 : i32
    %dma_start3A_14 = arith.constant 0 : i32
    %dma_start3A_15 = tpu.memref_slice %arg8[%dma_start3A, %dma_start3A_13, %dma_start3A_14] : memref<2x128x16xf32, #tpu.memory_space<vmem>> -> memref<1x128x16xf32, #tpu.memory_space<vmem>>
    %dma_start3A_16 = tpu.memref_squeeze %dma_start3A_15 : memref<1x128x16xf32, #tpu.memory_space<vmem>> -> memref<128x16xf32, #tpu.memory_space<vmem>>
    %dma_start3A_17 = arith.constant 0 : i32
    %dma_start3A_18 = tpu.memref_slice %arg7[%dma_start3A_12, %dma_start3A_17] : memref<79x128xi32, #tpu.memory_space<vmem>> -> memref<1x128xi32, #tpu.memory_space<vmem>>
    %dma_start3A_19 = tpu.memref_squeeze %dma_start3A_18 : memref<1x128xi32, #tpu.memory_space<vmem>> -> memref<128xi32, #tpu.memory_space<vmem>>
    %dma_start3A_20 = arith.constant 0 : i32
    %dma_start3A_21 = arith.constant 0 : i32
    %dma_start3A_22 = tpu.memref_slice %arg10[%dma_start3A_20, %dma_start3A_21] : memref<10112x16xf32, #tpu.memory_space<vmem_shared>> -> memref<10112x16xf32, #tpu.memory_space<vmem_shared>>
    tpu.enqueue_indirect_dma source(%dma_start3A_16 : memref<128x16xf32, #tpu.memory_space<vmem>>) target(%dma_start3A_22 : memref<10112x16xf32, #tpu.memory_space<vmem_shared>>) offsets(%dma_start3A_19 : memref<128xi32, #tpu.memory_space<vmem>>) semaphore(%arg11 : memref<!tpu.dma_semaphore, #tpu.memory_space<semaphore_mem>>) {add = true}
    %run_scoped3A_23 = arith.constant 1 : i32
    %run_scoped3A_24 = arith.constant 1 : i32
    "tpu.region"() ({
      %run_scoped3A_71 = tpu.sem_alloc : memref<!tpu.dma_semaphore, #tpu.memory_space<semaphore_mem>>
      %dma_start3A_72 = arith.constant 0 : i32
      %dma_start3A_73 = arith.constant 0 : i32
      %dma_start3A_74 = tpu.memref_slice %arg8[%run_scoped3A_24, %dma_start3A_72, %dma_start3A_73] : memref<2x128x16xf32, #tpu.memory_space<vmem>> -> memref<1x128x16xf32, #tpu.memory_space<vmem>>
      %dma_start3A_75 = tpu.memref_squeeze %dma_start3A_74 : memref<1x128x16xf32, #tpu.memory_space<vmem>> -> memref<128x16xf32, #tpu.memory_space<vmem>>
      %dma_start3A_76 = arith.constant 0 : i32
      %dma_start3A_77 = tpu.memref_slice %arg6[%run_scoped3A_23, %dma_start3A_76] : memref<79x128xi32, #tpu.memory_space<vmem>> -> memref<1x128xi32, #tpu.memory_space<vmem>>
      %dma_start3A_78 = tpu.memref_squeeze %dma_start3A_77 : memref<1x128xi32, #tpu.memory_space<vmem>> -> memref<128xi32, #tpu.memory_space<vmem>>
      %dma_start3A_79 = arith.constant 0 : i32
      %dma_start3A_80 = arith.constant 0 : i32
      %dma_start3A_81 = tpu.memref_slice %arg9[%dma_start3A_79, %dma_start3A_80] : memref<10112x16xf32, #tpu.memory_space<vmem_shared>> -> memref<10112x16xf32, #tpu.memory_space<vmem_shared>>
      tpu.enqueue_indirect_dma source(%dma_start3A_81 : memref<10112x16xf32, #tpu.memory_space<vmem_shared>>) target(%dma_start3A_75 : memref<128x16xf32, #tpu.memory_space<vmem>>) offsets(%dma_start3A_78 : memref<128xi32, #tpu.memory_space<vmem>>) semaphore(%run_scoped3A_71 : memref<!tpu.dma_semaphore, #tpu.memory_space<semaphore_mem>>)
      %dma_wait3A_82 = arith.constant 0 : i32
      %dma_wait3A_83 = arith.constant 0 : i32
      %dma_wait3A_84 = tpu.memref_slice %arg8[%run_scoped3A_24, %dma_wait3A_82, %dma_wait3A_83] : memref<2x128x16xf32, #tpu.memory_space<vmem>> -> memref<1x128x16xf32, #tpu.memory_space<vmem>>
      %dma_wait3A_85 = tpu.memref_squeeze %dma_wait3A_84 : memref<1x128x16xf32, #tpu.memory_space<vmem>> -> memref<128x16xf32, #tpu.memory_space<vmem>>
      %dma_wait3A_86 = arith.constant 0 : i32
      %dma_wait3A_87 = tpu.memref_slice %arg6[%run_scoped3A_23, %dma_wait3A_86] : memref<79x128xi32, #tpu.memory_space<vmem>> -> memref<1x128xi32, #tpu.memory_space<vmem>>
      %dma_wait3A_88 = tpu.memref_squeeze %dma_wait3A_87 : memref<1x128xi32, #tpu.memory_space<vmem>> -> memref<128xi32, #tpu.memory_space<vmem>>
      %dma_wait3A_89 = arith.constant 0 : i32
      %dma_wait3A_90 = arith.constant 0 : i32
      %dma_wait3A_91 = tpu.memref_slice %arg9[%dma_wait3A_89, %dma_wait3A_90] : memref<10112x16xf32, #tpu.memory_space<vmem_shared>> -> memref<10112x16xf32, #tpu.memory_space<vmem_shared>>
      tpu.wait_indirect_dma semaphore(%run_scoped3A_71 : memref<!tpu.dma_semaphore, #tpu.memory_space<semaphore_mem>>) src(%dma_wait3A_91 : memref<10112x16xf32, #tpu.memory_space<vmem_shared>>) dst(%dma_wait3A_85 : memref<128x16xf32, #tpu.memory_space<vmem>>)
      tpu.yield
    }) : () -> ()
    %dma_start3A_25 = arith.constant 1 : i32
    %dma_start3A_26 = arith.constant 1 : i32
    %dma_start3A_27 = arith.constant 0 : i32
    %dma_start3A_28 = arith.constant 0 : i32
    %dma_start3A_29 = tpu.memref_slice %arg8[%dma_start3A_25, %dma_start3A_27, %dma_start3A_28] : memref<2x128x16xf32, #tpu.memory_space<vmem>> -> memref<1x128x16xf32, #tpu.memory_space<vmem>>
    %dma_start3A_30 = tpu.memref_squeeze %dma_start3A_29 : memref<1x128x16xf32, #tpu.memory_space<vmem>> -> memref<128x16xf32, #tpu.memory_space<vmem>>
    %dma_start3A_31 = arith.constant 0 : i32
    %dma_start3A_32 = tpu.memref_slice %arg7[%dma_start3A_26, %dma_start3A_31] : memref<79x128xi32, #tpu.memory_space<vmem>> -> memref<1x128xi32, #tpu.memory_space<vmem>>
    %dma_start3A_33 = tpu.memref_squeeze %dma_start3A_32 : memref<1x128xi32, #tpu.memory_space<vmem>> -> memref<128xi32, #tpu.memory_space<vmem>>
    %dma_start3A_34 = arith.constant 0 : i32
    %dma_start3A_35 = arith.constant 0 : i32
    %dma_start3A_36 = tpu.memref_slice %arg10[%dma_start3A_34, %dma_start3A_35] : memref<10112x16xf32, #tpu.memory_space<vmem_shared>> -> memref<10112x16xf32, #tpu.memory_space<vmem_shared>>
    tpu.enqueue_indirect_dma source(%dma_start3A_30 : memref<128x16xf32, #tpu.memory_space<vmem>>) target(%dma_start3A_36 : memref<10112x16xf32, #tpu.memory_space<vmem_shared>>) offsets(%dma_start3A_33 : memref<128xi32, #tpu.memory_space<vmem>>) semaphore(%arg12 : memref<!tpu.dma_semaphore, #tpu.memory_space<semaphore_mem>>) {add = true}
    %scan3A = arith.constant 0 : i32
    %scan3A_37 = arith.constant 1 : i32
    %scan3A_38 = arith.constant 38 : i32
    %scan3A_39 = arith.addi %scan3A_37, %scan3A_38 : i32
    %scan3A_40 = arith.constant 1 : i32
    scf.for %scan3A_71 = %scan3A_37 to %scan3A_39 step %scan3A_40  : i32 {
      %mul3A_72 = arith.constant 2 : i32
      %mul3A_73 = arith.muli %mul3A_72, %scan3A_71 : i32
      %add3A_74 = arith.constant 0 : i32
      %add3A_75 = arith.addi %mul3A_73, %add3A_74 : i32
      %sub3A = arith.constant 2 : i32
      %sub3A_76 = arith.subi %add3A_75, %sub3A : i32
      %dma_wait3A_77 = arith.constant 0 : i32
      %dma_wait3A_78 = arith.constant 0 : i32
      %dma_wait3A_79 = arith.constant 0 : i32
      %dma_wait3A_80 = tpu.memref_slice %arg8[%dma_wait3A_77, %dma_wait3A_78, %dma_wait3A_79] : memref<2x128x16xf32, #tpu.memory_space<vmem>> -> memref<1x128x16xf32, #tpu.memory_space<vmem>>
      %dma_wait3A_81 = tpu.memref_squeeze %dma_wait3A_80 : memref<1x128x16xf32, #tpu.memory_space<vmem>> -> memref<128x16xf32, #tpu.memory_space<vmem>>
      %dma_wait3A_82 = arith.constant 0 : i32
      %dma_wait3A_83 = tpu.memref_slice %arg7[%sub3A_76, %dma_wait3A_82] : memref<79x128xi32, #tpu.memory_space<vmem>> -> memref<1x128xi32, #tpu.memory_space<vmem>>
      %dma_wait3A_84 = tpu.memref_squeeze %dma_wait3A_83 : memref<1x128xi32, #tpu.memory_space<vmem>> -> memref<128xi32, #tpu.memory_space<vmem>>
      %dma_wait3A_85 = arith.constant 0 : i32
      %dma_wait3A_86 = arith.constant 0 : i32
      %dma_wait3A_87 = tpu.memref_slice %arg10[%dma_wait3A_85, %dma_wait3A_86] : memref<10112x16xf32, #tpu.memory_space<vmem_shared>> -> memref<10112x16xf32, #tpu.memory_space<vmem_shared>>
      tpu.wait_indirect_dma semaphore(%arg11 : memref<!tpu.dma_semaphore, #tpu.memory_space<semaphore_mem>>) src(%dma_wait3A_81 : memref<128x16xf32, #tpu.memory_space<vmem>>) dst(%dma_wait3A_87 : memref<10112x16xf32, #tpu.memory_space<vmem_shared>>)
      %run_scoped3A_88 = arith.constant 0 : i32
      "tpu.region"() ({
        %run_scoped3A_127 = tpu.sem_alloc : memref<!tpu.dma_semaphore, #tpu.memory_space<semaphore_mem>>
        %dma_start3A_128 = arith.constant 0 : i32
        %dma_start3A_129 = arith.constant 0 : i32
        %dma_start3A_130 = tpu.memref_slice %arg8[%run_scoped3A_88, %dma_start3A_128, %dma_start3A_129] : memref<2x128x16xf32, #tpu.memory_space<vmem>> -> memref<1x128x16xf32, #tpu.memory_space<vmem>>
        %dma_start3A_131 = tpu.memref_squeeze %dma_start3A_130 : memref<1x128x16xf32, #tpu.memory_space<vmem>> -> memref<128x16xf32, #tpu.memory_space<vmem>>
        %dma_start3A_132 = arith.constant 0 : i32
        %dma_start3A_133 = tpu.memref_slice %arg6[%add3A_75, %dma_start3A_132] : memref<79x128xi32, #tpu.memory_space<vmem>> -> memref<1x128xi32, #tpu.memory_space<vmem>>
        %dma_start3A_134 = tpu.memref_squeeze %dma_start3A_133 : memref<1x128xi32, #tpu.memory_space<vmem>> -> memref<128xi32, #tpu.memory_space<vmem>>
        %dma_start3A_135 = arith.constant 0 : i32
        %dma_start3A_136 = arith.constant 0 : i32
        %dma_start3A_137 = tpu.memref_slice %arg9[%dma_start3A_135, %dma_start3A_136] : memref<10112x16xf32, #tpu.memory_space<vmem_shared>> -> memref<10112x16xf32, #tpu.memory_space<vmem_shared>>
        tpu.enqueue_indirect_dma source(%dma_start3A_137 : memref<10112x16xf32, #tpu.memory_space<vmem_shared>>) target(%dma_start3A_131 : memref<128x16xf32, #tpu.memory_space<vmem>>) offsets(%dma_start3A_134 : memref<128xi32, #tpu.memory_space<vmem>>) semaphore(%run_scoped3A_127 : memref<!tpu.dma_semaphore, #tpu.memory_space<semaphore_mem>>)
        %dma_wait3A_138 = arith.constant 0 : i32
        %dma_wait3A_139 = arith.constant 0 : i32
        %dma_wait3A_140 = tpu.memref_slice %arg8[%run_scoped3A_88, %dma_wait3A_138, %dma_wait3A_139] : memref<2x128x16xf32, #tpu.memory_space<vmem>> -> memref<1x128x16xf32, #tpu.memory_space<vmem>>
        %dma_wait3A_141 = tpu.memref_squeeze %dma_wait3A_140 : memref<1x128x16xf32, #tpu.memory_space<vmem>> -> memref<128x16xf32, #tpu.memory_space<vmem>>
        %dma_wait3A_142 = arith.constant 0 : i32
        %dma_wait3A_143 = tpu.memref_slice %arg6[%add3A_75, %dma_wait3A_142] : memref<79x128xi32, #tpu.memory_space<vmem>> -> memref<1x128xi32, #tpu.memory_space<vmem>>
        %dma_wait3A_144 = tpu.memref_squeeze %dma_wait3A_143 : memref<1x128xi32, #tpu.memory_space<vmem>> -> memref<128xi32, #tpu.memory_space<vmem>>
        %dma_wait3A_145 = arith.constant 0 : i32
        %dma_wait3A_146 = arith.constant 0 : i32
        %dma_wait3A_147 = tpu.memref_slice %arg9[%dma_wait3A_145, %dma_wait3A_146] : memref<10112x16xf32, #tpu.memory_space<vmem_shared>> -> memref<10112x16xf32, #tpu.memory_space<vmem_shared>>
        tpu.wait_indirect_dma semaphore(%run_scoped3A_127 : memref<!tpu.dma_semaphore, #tpu.memory_space<semaphore_mem>>) src(%dma_wait3A_147 : memref<10112x16xf32, #tpu.memory_space<vmem_shared>>) dst(%dma_wait3A_141 : memref<128x16xf32, #tpu.memory_space<vmem>>)
        tpu.yield
      }) : () -> ()
      %dma_start3A_89 = arith.constant 0 : i32
      %dma_start3A_90 = arith.constant 0 : i32
      %dma_start3A_91 = arith.constant 0 : i32
      %dma_start3A_92 = tpu.memref_slice %arg8[%dma_start3A_89, %dma_start3A_90, %dma_start3A_91] : memref<2x128x16xf32, #tpu.memory_space<vmem>> -> memref<1x128x16xf32, #tpu.memory_space<vmem>>
      %dma_start3A_93 = tpu.memref_squeeze %dma_start3A_92 : memref<1x128x16xf32, #tpu.memory_space<vmem>> -> memref<128x16xf32, #tpu.memory_space<vmem>>
      %dma_start3A_94 = arith.constant 0 : i32
      %dma_start3A_95 = tpu.memref_slice %arg7[%add3A_75, %dma_start3A_94] : memref<79x128xi32, #tpu.memory_space<vmem>> -> memref<1x128xi32, #tpu.memory_space<vmem>>
      %dma_start3A_96 = tpu.memref_squeeze %dma_start3A_95 : memref<1x128xi32, #tpu.memory_space<vmem>> -> memref<128xi32, #tpu.memory_space<vmem>>
      %dma_start3A_97 = arith.constant 0 : i32
      %dma_start3A_98 = arith.constant 0 : i32
      %dma_start3A_99 = tpu.memref_slice %arg10[%dma_start3A_97, %dma_start3A_98] : memref<10112x16xf32, #tpu.memory_space<vmem_shared>> -> memref<10112x16xf32, #tpu.memory_space<vmem_shared>>
      tpu.enqueue_indirect_dma source(%dma_start3A_93 : memref<128x16xf32, #tpu.memory_space<vmem>>) target(%dma_start3A_99 : memref<10112x16xf32, #tpu.memory_space<vmem_shared>>) offsets(%dma_start3A_96 : memref<128xi32, #tpu.memory_space<vmem>>) semaphore(%arg11 : memref<!tpu.dma_semaphore, #tpu.memory_space<semaphore_mem>>) {add = true}
      %add3A_100 = arith.constant 1 : i32
      %add3A_101 = arith.addi %mul3A_73, %add3A_100 : i32
      %sub3A_102 = arith.constant 2 : i32
      %sub3A_103 = arith.subi %add3A_101, %sub3A_102 : i32
      %dma_wait3A_104 = arith.constant 1 : i32
      %dma_wait3A_105 = arith.constant 0 : i32
      %dma_wait3A_106 = arith.constant 0 : i32
      %dma_wait3A_107 = tpu.memref_slice %arg8[%dma_wait3A_104, %dma_wait3A_105, %dma_wait3A_106] : memref<2x128x16xf32, #tpu.memory_space<vmem>> -> memref<1x128x16xf32, #tpu.memory_space<vmem>>
      %dma_wait3A_108 = tpu.memref_squeeze %dma_wait3A_107 : memref<1x128x16xf32, #tpu.memory_space<vmem>> -> memref<128x16xf32, #tpu.memory_space<vmem>>
      %dma_wait3A_109 = arith.constant 0 : i32
      %dma_wait3A_110 = tpu.memref_slice %arg7[%sub3A_103, %dma_wait3A_109] : memref<79x128xi32, #tpu.memory_space<vmem>> -> memref<1x128xi32, #tpu.memory_space<vmem>>
      %dma_wait3A_111 = tpu.memref_squeeze %dma_wait3A_110 : memref<1x128xi32, #tpu.memory_space<vmem>> -> memref<128xi32, #tpu.memory_space<vmem>>
      %dma_wait3A_112 = arith.constant 0 : i32
      %dma_wait3A_113 = arith.constant 0 : i32
      %dma_wait3A_114 = tpu.memref_slice %arg10[%dma_wait3A_112, %dma_wait3A_113] : memref<10112x16xf32, #tpu.memory_space<vmem_shared>> -> memref<10112x16xf32, #tpu.memory_space<vmem_shared>>
      tpu.wait_indirect_dma semaphore(%arg12 : memref<!tpu.dma_semaphore, #tpu.memory_space<semaphore_mem>>) src(%dma_wait3A_108 : memref<128x16xf32, #tpu.memory_space<vmem>>) dst(%dma_wait3A_114 : memref<10112x16xf32, #tpu.memory_space<vmem_shared>>)
      %run_scoped3A_115 = arith.constant 1 : i32
      "tpu.region"() ({
        %run_scoped3A_127 = tpu.sem_alloc : memref<!tpu.dma_semaphore, #tpu.memory_space<semaphore_mem>>
        %dma_start3A_128 = arith.constant 0 : i32
        %dma_start3A_129 = arith.constant 0 : i32
        %dma_start3A_130 = tpu.memref_slice %arg8[%run_scoped3A_115, %dma_start3A_128, %dma_start3A_129] : memref<2x128x16xf32, #tpu.memory_space<vmem>> -> memref<1x128x16xf32, #tpu.memory_space<vmem>>
        %dma_start3A_131 = tpu.memref_squeeze %dma_start3A_130 : memref<1x128x16xf32, #tpu.memory_space<vmem>> -> memref<128x16xf32, #tpu.memory_space<vmem>>
        %dma_start3A_132 = arith.constant 0 : i32
        %dma_start3A_133 = tpu.memref_slice %arg6[%add3A_101, %dma_start3A_132] : memref<79x128xi32, #tpu.memory_space<vmem>> -> memref<1x128xi32, #tpu.memory_space<vmem>>
        %dma_start3A_134 = tpu.memref_squeeze %dma_start3A_133 : memref<1x128xi32, #tpu.memory_space<vmem>> -> memref<128xi32, #tpu.memory_space<vmem>>
        %dma_start3A_135 = arith.constant 0 : i32
        %dma_start3A_136 = arith.constant 0 : i32
        %dma_start3A_137 = tpu.memref_slice %arg9[%dma_start3A_135, %dma_start3A_136] : memref<10112x16xf32, #tpu.memory_space<vmem_shared>> -> memref<10112x16xf32, #tpu.memory_space<vmem_shared>>
        tpu.enqueue_indirect_dma source(%dma_start3A_137 : memref<10112x16xf32, #tpu.memory_space<vmem_shared>>) target(%dma_start3A_131 : memref<128x16xf32, #tpu.memory_space<vmem>>) offsets(%dma_start3A_134 : memref<128xi32, #tpu.memory_space<vmem>>) semaphore(%run_scoped3A_127 : memref<!tpu.dma_semaphore, #tpu.memory_space<semaphore_mem>>)
        %dma_wait3A_138 = arith.constant 0 : i32
        %dma_wait3A_139 = arith.constant 0 : i32
        %dma_wait3A_140 = tpu.memref_slice %arg8[%run_scoped3A_115, %dma_wait3A_138, %dma_wait3A_139] : memref<2x128x16xf32, #tpu.memory_space<vmem>> -> memref<1x128x16xf32, #tpu.memory_space<vmem>>
        %dma_wait3A_141 = tpu.memref_squeeze %dma_wait3A_140 : memref<1x128x16xf32, #tpu.memory_space<vmem>> -> memref<128x16xf32, #tpu.memory_space<vmem>>
        %dma_wait3A_142 = arith.constant 0 : i32
        %dma_wait3A_143 = tpu.memref_slice %arg6[%add3A_101, %dma_wait3A_142] : memref<79x128xi32, #tpu.memory_space<vmem>> -> memref<1x128xi32, #tpu.memory_space<vmem>>
        %dma_wait3A_144 = tpu.memref_squeeze %dma_wait3A_143 : memref<1x128xi32, #tpu.memory_space<vmem>> -> memref<128xi32, #tpu.memory_space<vmem>>
        %dma_wait3A_145 = arith.constant 0 : i32
        %dma_wait3A_146 = arith.constant 0 : i32
        %dma_wait3A_147 = tpu.memref_slice %arg9[%dma_wait3A_145, %dma_wait3A_146] : memref<10112x16xf32, #tpu.memory_space<vmem_shared>> -> memref<10112x16xf32, #tpu.memory_space<vmem_shared>>
        tpu.wait_indirect_dma semaphore(%run_scoped3A_127 : memref<!tpu.dma_semaphore, #tpu.memory_space<semaphore_mem>>) src(%dma_wait3A_147 : memref<10112x16xf32, #tpu.memory_space<vmem_shared>>) dst(%dma_wait3A_141 : memref<128x16xf32, #tpu.memory_space<vmem>>)
        tpu.yield
      }) : () -> ()
      %dma_start3A_116 = arith.constant 1 : i32
      %dma_start3A_117 = arith.constant 0 : i32
      %dma_start3A_118 = arith.constant 0 : i32
      %dma_start3A_119 = tpu.memref_slice %arg8[%dma_start3A_116, %dma_start3A_117, %dma_start3A_118] : memref<2x128x16xf32, #tpu.memory_space<vmem>> -> memref<1x128x16xf32, #tpu.memory_space<vmem>>
      %dma_start3A_120 = tpu.memref_squeeze %dma_start3A_119 : memref<1x128x16xf32, #tpu.memory_space<vmem>> -> memref<128x16xf32, #tpu.memory_space<vmem>>
      %dma_start3A_121 = arith.constant 0 : i32
      %dma_start3A_122 = tpu.memref_slice %arg7[%add3A_101, %dma_start3A_121] : memref<79x128xi32, #tpu.memory_space<vmem>> -> memref<1x128xi32, #tpu.memory_space<vmem>>
      %dma_start3A_123 = tpu.memref_squeeze %dma_start3A_122 : memref<1x128xi32, #tpu.memory_space<vmem>> -> memref<128xi32, #tpu.memory_space<vmem>>
      %dma_start3A_124 = arith.constant 0 : i32
      %dma_start3A_125 = arith.constant 0 : i32
      %dma_start3A_126 = tpu.memref_slice %arg10[%dma_start3A_124, %dma_start3A_125] : memref<10112x16xf32, #tpu.memory_space<vmem_shared>> -> memref<10112x16xf32, #tpu.memory_space<vmem_shared>>
      tpu.enqueue_indirect_dma source(%dma_start3A_120 : memref<128x16xf32, #tpu.memory_space<vmem>>) target(%dma_start3A_126 : memref<10112x16xf32, #tpu.memory_space<vmem_shared>>) offsets(%dma_start3A_123 : memref<128xi32, #tpu.memory_space<vmem>>) semaphore(%arg12 : memref<!tpu.dma_semaphore, #tpu.memory_space<semaphore_mem>>) {add = true}
    }
    %scan3A_41 = arith.constant 38 : i32
    %dma_wait3A = arith.constant 0 : i32
    %dma_wait3A_42 = arith.constant 76 : i32
    %dma_wait3A_43 = arith.constant 0 : i32
    %dma_wait3A_44 = arith.constant 0 : i32
    %dma_wait3A_45 = tpu.memref_slice %arg8[%dma_wait3A, %dma_wait3A_43, %dma_wait3A_44] : memref<2x128x16xf32, #tpu.memory_space<vmem>> -> memref<1x128x16xf32, #tpu.memory_space<vmem>>
    %dma_wait3A_46 = tpu.memref_squeeze %dma_wait3A_45 : memref<1x128x16xf32, #tpu.memory_space<vmem>> -> memref<128x16xf32, #tpu.memory_space<vmem>>
    %dma_wait3A_47 = arith.constant 0 : i32
    %dma_wait3A_48 = tpu.memref_slice %arg7[%dma_wait3A_42, %dma_wait3A_47] : memref<79x128xi32, #tpu.memory_space<vmem>> -> memref<1x128xi32, #tpu.memory_space<vmem>>
    %dma_wait3A_49 = tpu.memref_squeeze %dma_wait3A_48 : memref<1x128xi32, #tpu.memory_space<vmem>> -> memref<128xi32, #tpu.memory_space<vmem>>
    %dma_wait3A_50 = arith.constant 0 : i32
    %dma_wait3A_51 = arith.constant 0 : i32
    %dma_wait3A_52 = tpu.memref_slice %arg10[%dma_wait3A_50, %dma_wait3A_51] : memref<10112x16xf32, #tpu.memory_space<vmem_shared>> -> memref<10112x16xf32, #tpu.memory_space<vmem_shared>>
    tpu.wait_indirect_dma semaphore(%arg11 : memref<!tpu.dma_semaphore, #tpu.memory_space<semaphore_mem>>) src(%dma_wait3A_46 : memref<128x16xf32, #tpu.memory_space<vmem>>) dst(%dma_wait3A_52 : memref<10112x16xf32, #tpu.memory_space<vmem_shared>>)
    %dma_wait3A_53 = arith.constant 1 : i32
    %dma_wait3A_54 = arith.constant 77 : i32
    %dma_wait3A_55 = arith.constant 0 : i32
    %dma_wait3A_56 = arith.constant 0 : i32
    %dma_wait3A_57 = tpu.memref_slice %arg8[%dma_wait3A_53, %dma_wait3A_55, %dma_wait3A_56] : memref<2x128x16xf32, #tpu.memory_space<vmem>> -> memref<1x128x16xf32, #tpu.memory_space<vmem>>
    %dma_wait3A_58 = tpu.memref_squeeze %dma_wait3A_57 : memref<1x128x16xf32, #tpu.memory_space<vmem>> -> memref<128x16xf32, #tpu.memory_space<vmem>>
    %dma_wait3A_59 = arith.constant 0 : i32
    %dma_wait3A_60 = tpu.memref_slice %arg7[%dma_wait3A_54, %dma_wait3A_59] : memref<79x128xi32, #tpu.memory_space<vmem>> -> memref<1x128xi32, #tpu.memory_space<vmem>>
    %dma_wait3A_61 = tpu.memref_squeeze %dma_wait3A_60 : memref<1x128xi32, #tpu.memory_space<vmem>> -> memref<128xi32, #tpu.memory_space<vmem>>
    %dma_wait3A_62 = arith.constant 0 : i32
    %dma_wait3A_63 = arith.constant 0 : i32
    %dma_wait3A_64 = tpu.memref_slice %arg10[%dma_wait3A_62, %dma_wait3A_63] : memref<10112x16xf32, #tpu.memory_space<vmem_shared>> -> memref<10112x16xf32, #tpu.memory_space<vmem_shared>>
    tpu.wait_indirect_dma semaphore(%arg12 : memref<!tpu.dma_semaphore, #tpu.memory_space<semaphore_mem>>) src(%dma_wait3A_58 : memref<128x16xf32, #tpu.memory_space<vmem>>) dst(%dma_wait3A_64 : memref<10112x16xf32, #tpu.memory_space<vmem_shared>>)
    %lt3A_65 = arith.constant 4 : i32
    %lt3A_66 = arith.cmpi slt, %add3A, %lt3A_65 : i32
    %convert_element_type3A_67 = arith.extui %lt3A_66 : i1 to i32
    %cond3A_68 = arith.constant 0 : i32
    %cond3A_69 = arith.cmpi ne, %convert_element_type3A_67, %cond3A_68 : i32
    scf.if %cond3A_69 {
      %run_scoped3A_71 = arith.constant 78 : i32
      %run_scoped3A_72 = arith.constant 0 : i32
      "tpu.region"() ({
        %run_scoped3A_75 = tpu.sem_alloc : memref<!tpu.dma_semaphore, #tpu.memory_space<semaphore_mem>>
        %dma_start3A_76 = arith.constant 0 : i32
        %dma_start3A_77 = arith.constant 0 : i32
        %dma_start3A_78 = tpu.memref_slice %arg8[%run_scoped3A_72, %dma_start3A_76, %dma_start3A_77] : memref<2x128x16xf32, #tpu.memory_space<vmem>> -> memref<1x128x16xf32, #tpu.memory_space<vmem>>
        %dma_start3A_79 = tpu.memref_squeeze %dma_start3A_78 : memref<1x128x16xf32, #tpu.memory_space<vmem>> -> memref<128x16xf32, #tpu.memory_space<vmem>>
        %dma_start3A_80 = arith.constant 0 : i32
        %dma_start3A_81 = tpu.memref_slice %arg6[%run_scoped3A_71, %dma_start3A_80] : memref<79x128xi32, #tpu.memory_space<vmem>> -> memref<1x128xi32, #tpu.memory_space<vmem>>
        %dma_start3A_82 = tpu.memref_squeeze %dma_start3A_81 : memref<1x128xi32, #tpu.memory_space<vmem>> -> memref<128xi32, #tpu.memory_space<vmem>>
        %dma_start3A_83 = arith.constant 0 : i32
        %dma_start3A_84 = arith.constant 0 : i32
        %dma_start3A_85 = tpu.memref_slice %arg9[%dma_start3A_83, %dma_start3A_84] : memref<10112x16xf32, #tpu.memory_space<vmem_shared>> -> memref<10112x16xf32, #tpu.memory_space<vmem_shared>>
        tpu.enqueue_indirect_dma source(%dma_start3A_85 : memref<10112x16xf32, #tpu.memory_space<vmem_shared>>) target(%dma_start3A_79 : memref<128x16xf32, #tpu.memory_space<vmem>>) offsets(%dma_start3A_82 : memref<128xi32, #tpu.memory_space<vmem>>) semaphore(%run_scoped3A_75 : memref<!tpu.dma_semaphore, #tpu.memory_space<semaphore_mem>>)
        %dma_wait3A_86 = arith.constant 0 : i32
        %dma_wait3A_87 = arith.constant 0 : i32
        %dma_wait3A_88 = tpu.memref_slice %arg8[%run_scoped3A_72, %dma_wait3A_86, %dma_wait3A_87] : memref<2x128x16xf32, #tpu.memory_space<vmem>> -> memref<1x128x16xf32, #tpu.memory_space<vmem>>
        %dma_wait3A_89 = tpu.memref_squeeze %dma_wait3A_88 : memref<1x128x16xf32, #tpu.memory_space<vmem>> -> memref<128x16xf32, #tpu.memory_space<vmem>>
        %dma_wait3A_90 = arith.constant 0 : i32
        %dma_wait3A_91 = tpu.memref_slice %arg6[%run_scoped3A_71, %dma_wait3A_90] : memref<79x128xi32, #tpu.memory_space<vmem>> -> memref<1x128xi32, #tpu.memory_space<vmem>>
        %dma_wait3A_92 = tpu.memref_squeeze %dma_wait3A_91 : memref<1x128xi32, #tpu.memory_space<vmem>> -> memref<128xi32, #tpu.memory_space<vmem>>
        %dma_wait3A_93 = arith.constant 0 : i32
        %dma_wait3A_94 = arith.constant 0 : i32
        %dma_wait3A_95 = tpu.memref_slice %arg9[%dma_wait3A_93, %dma_wait3A_94] : memref<10112x16xf32, #tpu.memory_space<vmem_shared>> -> memref<10112x16xf32, #tpu.memory_space<vmem_shared>>
        tpu.wait_indirect_dma semaphore(%run_scoped3A_75 : memref<!tpu.dma_semaphore, #tpu.memory_space<semaphore_mem>>) src(%dma_wait3A_95 : memref<10112x16xf32, #tpu.memory_space<vmem_shared>>) dst(%dma_wait3A_89 : memref<128x16xf32, #tpu.memory_space<vmem>>)
        tpu.yield
      }) : () -> ()
      %run_scoped3A_73 = arith.constant 0 : i32
      %run_scoped3A_74 = arith.constant 78 : i32
      "tpu.region"() ({
        %run_scoped3A_75 = tpu.sem_alloc : memref<!tpu.dma_semaphore, #tpu.memory_space<semaphore_mem>>
        %dma_start3A_76 = arith.constant 0 : i32
        %dma_start3A_77 = arith.constant 0 : i32
        %dma_start3A_78 = tpu.memref_slice %arg8[%run_scoped3A_73, %dma_start3A_76, %dma_start3A_77] : memref<2x128x16xf32, #tpu.memory_space<vmem>> -> memref<1x128x16xf32, #tpu.memory_space<vmem>>
        %dma_start3A_79 = tpu.memref_squeeze %dma_start3A_78 : memref<1x128x16xf32, #tpu.memory_space<vmem>> -> memref<128x16xf32, #tpu.memory_space<vmem>>
        %dma_start3A_80 = arith.constant 0 : i32
        %dma_start3A_81 = tpu.memref_slice %arg7[%run_scoped3A_74, %dma_start3A_80] : memref<79x128xi32, #tpu.memory_space<vmem>> -> memref<1x128xi32, #tpu.memory_space<vmem>>
        %dma_start3A_82 = tpu.memref_squeeze %dma_start3A_81 : memref<1x128xi32, #tpu.memory_space<vmem>> -> memref<128xi32, #tpu.memory_space<vmem>>
        %dma_start3A_83 = arith.constant 0 : i32
        %dma_start3A_84 = arith.constant 0 : i32
        %dma_start3A_85 = tpu.memref_slice %arg10[%dma_start3A_83, %dma_start3A_84] : memref<10112x16xf32, #tpu.memory_space<vmem_shared>> -> memref<10112x16xf32, #tpu.memory_space<vmem_shared>>
        tpu.enqueue_indirect_dma source(%dma_start3A_79 : memref<128x16xf32, #tpu.memory_space<vmem>>) target(%dma_start3A_85 : memref<10112x16xf32, #tpu.memory_space<vmem_shared>>) offsets(%dma_start3A_82 : memref<128xi32, #tpu.memory_space<vmem>>) semaphore(%run_scoped3A_75 : memref<!tpu.dma_semaphore, #tpu.memory_space<semaphore_mem>>) {add = true}
        %dma_wait3A_86 = arith.constant 0 : i32
        %dma_wait3A_87 = arith.constant 0 : i32
        %dma_wait3A_88 = tpu.memref_slice %arg8[%run_scoped3A_73, %dma_wait3A_86, %dma_wait3A_87] : memref<2x128x16xf32, #tpu.memory_space<vmem>> -> memref<1x128x16xf32, #tpu.memory_space<vmem>>
        %dma_wait3A_89 = tpu.memref_squeeze %dma_wait3A_88 : memref<1x128x16xf32, #tpu.memory_space<vmem>> -> memref<128x16xf32, #tpu.memory_space<vmem>>
        %dma_wait3A_90 = arith.constant 0 : i32
        %dma_wait3A_91 = tpu.memref_slice %arg7[%run_scoped3A_74, %dma_wait3A_90] : memref<79x128xi32, #tpu.memory_space<vmem>> -> memref<1x128xi32, #tpu.memory_space<vmem>>
        %dma_wait3A_92 = tpu.memref_squeeze %dma_wait3A_91 : memref<1x128xi32, #tpu.memory_space<vmem>> -> memref<128xi32, #tpu.memory_space<vmem>>
        %dma_wait3A_93 = arith.constant 0 : i32
        %dma_wait3A_94 = arith.constant 0 : i32
        %dma_wait3A_95 = tpu.memref_slice %arg10[%dma_wait3A_93, %dma_wait3A_94] : memref<10112x16xf32, #tpu.memory_space<vmem_shared>> -> memref<10112x16xf32, #tpu.memory_space<vmem_shared>>
        tpu.wait_indirect_dma semaphore(%run_scoped3A_75 : memref<!tpu.dma_semaphore, #tpu.memory_space<semaphore_mem>>) src(%dma_wait3A_89 : memref<128x16xf32, #tpu.memory_space<vmem>>) dst(%dma_wait3A_95 : memref<10112x16xf32, #tpu.memory_space<vmem_shared>>)
        tpu.yield
      }) : () -> ()
    } else {
    }
    %barrier3A_70 = arith.constant 0 : index
    tpu.barrier barrier_id(%barrier3A_70)
    "tpu.region"() ({
      %run_scoped3A_71 = tpu.sem_alloc : memref<!tpu.dma_semaphore, #tpu.memory_space<semaphore_mem>>
      %dma_start3A_72 = arith.constant 0 : i32
      %dma_start3A_73 = tpu.memref_slice %arg5[%arg0, %mul3A_2, %dma_start3A_72] : memref<2x10112x16xf32, #tpu.memory_space<hbm>> -> memref<1x632x16xf32, #tpu.memory_space<hbm>>
      %dma_start3A_74 = tpu.memref_squeeze %dma_start3A_73 : memref<1x632x16xf32, #tpu.memory_space<hbm>> -> memref<632x16xf32, #tpu.memory_space<hbm>>
      %dma_start3A_75 = arith.constant 0 : i32
      %dma_start3A_76 = tpu.memref_slice %arg10[%mul3A_2, %dma_start3A_75] : memref<10112x16xf32, #tpu.memory_space<vmem_shared>> -> memref<632x16xf32, #tpu.memory_space<vmem_shared>>
      tpu.enqueue_dma source(%dma_start3A_76 : memref<632x16xf32, #tpu.memory_space<vmem_shared>>) target(%dma_start3A_74 : memref<632x16xf32, #tpu.memory_space<hbm>>) target_semaphore(%run_scoped3A_71 : memref<!tpu.dma_semaphore, #tpu.memory_space<semaphore_mem>>)
      %dma_wait3A_77 = arith.constant 0 : i32
      %dma_wait3A_78 = tpu.memref_slice %arg5[%arg0, %mul3A_2, %dma_wait3A_77] : memref<2x10112x16xf32, #tpu.memory_space<hbm>> -> memref<1x632x16xf32, #tpu.memory_space<hbm>>
      %dma_wait3A_79 = tpu.memref_squeeze %dma_wait3A_78 : memref<1x632x16xf32, #tpu.memory_space<hbm>> -> memref<632x16xf32, #tpu.memory_space<hbm>>
      %dma_wait3A_80 = arith.constant 0 : i32
      %dma_wait3A_81 = tpu.memref_slice %arg10[%mul3A_2, %dma_wait3A_80] : memref<10112x16xf32, #tpu.memory_space<vmem_shared>> -> memref<632x16xf32, #tpu.memory_space<vmem_shared>>
      tpu.wait_dma2 semaphore(%run_scoped3A_71 : memref<!tpu.dma_semaphore, #tpu.memory_space<semaphore_mem>>) src(%dma_wait3A_81 : memref<632x16xf32, #tpu.memory_space<vmem_shared>>) dst(%dma_wait3A_79 : memref<632x16xf32, #tpu.memory_space<hbm>>)
      tpu.yield
    }) : () -> ()
    return
  }
}

module attributes {stable_mosaic.version = 14 : i64} {
  func.func @_scale_body(%arg0: memref<1250x1024xf32, #tpu.memory_space<vmem>>, %arg1: memref<1024x128xf32, #tpu.memory_space<vmem>>, %arg2: memref<2528x128xf32, #tpu.memory_space<vmem>>, %arg3: memref<1264x128xf32, #tpu.memory_space<vmem>>, %arg4: memref<1264x128xf32, #tpu.memory_space<vmem>>) attributes {dimension_semantics = [], scalar_prefetch = 0 : i64, scratch_operands = 0 : i64, tpu.core_type = #tpu.core_type<tc>} {
    %get3A = arith.constant 0 : index
    %get3A_0 = arith.constant 0 : index
    %get3A_1 = vector.load %arg0[%get3A, %get3A_0] : memref<1250x1024xf32, #tpu.memory_space<vmem>>, vector<1250x1024xf32>
    %get3A_2 = arith.constant 0 : index
    %get3A_3 = arith.constant 0 : index
    %get3A_4 = vector.load %arg1[%get3A_2, %get3A_3] : memref<1024x128xf32, #tpu.memory_space<vmem>>, vector<1024x128xf32>
    %dot_general3A = arith.constant dense<0.000000e+00> : vector<1250x128xf32>
    %dot_general3A_5 = tpu.matmul %get3A_1, %get3A_4, %dot_general3A {dimension_numbers = #tpu.dot_dimension_numbers<[1], [0], [0], [1], [0, 0, 1, 1], [], []>, transpose_lhs_hint = false} : vector<1250x1024xf32>, vector<1024x128xf32>, vector<1250x128xf32> -> vector<1250x128xf32>
    %get3A_6 = arith.constant 0 : index
    %get3A_7 = arith.constant 0 : index
    %get3A_8 = vector.load %arg2[%get3A_6, %get3A_7] : memref<2528x128xf32, #tpu.memory_space<vmem>>, vector<1264x128xf32>
    %get3A_9 = arith.constant 1264 : index
    %get3A_10 = arith.constant 0 : index
    %get3A_11 = vector.load %arg2[%get3A_9, %get3A_10] : memref<2528x128xf32, #tpu.memory_space<vmem>>, vector<1264x128xf32>
    %add3A = arith.addf %get3A_8, %get3A_11 : vector<1264x128xf32>
    %add3A_12 = arith.constant 1.000000e+00 : f32
    %add3A_13 = vector.broadcast %add3A_12 : f32 to vector<1264x128xf32>
    %add3A_14 = arith.addf %add3A, %add3A_13 : vector<1264x128xf32>
    %rsqrt3A = math.rsqrt %add3A_14 : vector<1264x128xf32>
    %swap3A = arith.constant 0 : index
    %swap3A_15 = arith.constant 0 : index
    %swap3A_16 = vector.load %arg3[%swap3A, %swap3A_15] : memref<1264x128xf32, #tpu.memory_space<vmem>>, vector<1264x128xf32>
    tpu.vector_store %arg3[%swap3A, %swap3A_15], %rsqrt3A {strides = array<i32>} : memref<1264x128xf32, #tpu.memory_space<vmem>>, vector<1264x128xf32>,
    %slice3A = vector.extract_strided_slice %rsqrt3A {offsets = [0, 0], sizes = [1250, 128], strides = [1, 1]} : vector<1264x128xf32> to vector<1250x128xf32>
    %mul3A = arith.mulf %dot_general3A_5, %slice3A : vector<1250x128xf32>
    %swap3A_17 = arith.constant 0 : index
    %swap3A_18 = arith.constant 0 : index
    %swap3A_19 = vector.load %arg4[%swap3A_17, %swap3A_18] : memref<1264x128xf32, #tpu.memory_space<vmem>>, vector<1250x128xf32>
    tpu.vector_store %arg4[%swap3A_17, %swap3A_18], %mul3A {strides = array<i32>} : memref<1264x128xf32, #tpu.memory_space<vmem>>, vector<1250x128xf32>,
    return
  }
}

module attributes {stable_mosaic.version = 14 : i64} {
  func.func @_mid_body(%arg0: memref<2528x128xf32, #tpu.memory_space<vmem>>, %arg1: memref<1264x128xf32, #tpu.memory_space<vmem>>, %arg2: memref<1264x128xf32, #tpu.memory_space<vmem>>, %arg3: memref<1x128xf32, #tpu.memory_space<vmem>>, %arg4: memref<128x128xf32, #tpu.memory_space<vmem>>, %arg5: memref<1264x128xf32, #tpu.memory_space<vmem>>) attributes {dimension_semantics = [], scalar_prefetch = 0 : i64, scratch_operands = 0 : i64, tpu.core_type = #tpu.core_type<tc>} {
    %get3A = arith.constant 0 : index
    %get3A_0 = arith.constant 0 : index
    %get3A_1 = vector.load %arg0[%get3A, %get3A_0] : memref<2528x128xf32, #tpu.memory_space<vmem>>, vector<1264x128xf32>
    %get3A_2 = arith.constant 1264 : index
    %get3A_3 = arith.constant 0 : index
    %get3A_4 = vector.load %arg0[%get3A_2, %get3A_3] : memref<2528x128xf32, #tpu.memory_space<vmem>>, vector<1264x128xf32>
    %add3A = arith.addf %get3A_1, %get3A_4 : vector<1264x128xf32>
    %get3A_5 = arith.constant 0 : index
    %get3A_6 = arith.constant 0 : index
    %get3A_7 = vector.load %arg1[%get3A_5, %get3A_6] : memref<1264x128xf32, #tpu.memory_space<vmem>>, vector<1264x128xf32>
    %add3A_8 = arith.addf %add3A, %get3A_7 : vector<1264x128xf32>
    %get3A_9 = arith.constant 0 : index
    %get3A_10 = arith.constant 0 : index
    %get3A_11 = vector.load %arg2[%get3A_9, %get3A_10] : memref<1264x128xf32, #tpu.memory_space<vmem>>, vector<1264x128xf32>
    %mul3A = arith.mulf %get3A_11, %add3A_8 : vector<1264x128xf32>
    %get3A_12 = arith.constant 0 : index
    %get3A_13 = arith.constant 0 : index
    %get3A_14 = vector.load %arg3[%get3A_12, %get3A_13] : memref<1x128xf32, #tpu.memory_space<vmem>>, vector<1x128xf32>
    %add3A_15 = vector.broadcast %get3A_14 : vector<1x128xf32> to vector<1264x128xf32>
    %add3A_16 = arith.addf %mul3A, %add3A_15 : vector<1264x128xf32>
    %max3A = arith.constant 0.000000e+00 : f32
    %max3A_17 = vector.broadcast %max3A : f32 to vector<1264x128xf32>
    %max3A_18 = arith.maximumf %add3A_16, %max3A_17 : vector<1264x128xf32>
    %get3A_19 = arith.constant 0 : index
    %get3A_20 = arith.constant 0 : index
    %get3A_21 = vector.load %arg4[%get3A_19, %get3A_20] : memref<128x128xf32, #tpu.memory_space<vmem>>, vector<128x128xf32>
    %dot_general3A = arith.constant dense<0.000000e+00> : vector<1264x128xf32>
    %dot_general3A_22 = tpu.matmul %max3A_18, %get3A_21, %dot_general3A {dimension_numbers = #tpu.dot_dimension_numbers<[1], [0], [0], [1], [0, 0, 1, 1], [], []>, transpose_lhs_hint = false} : vector<1264x128xf32>, vector<128x128xf32>, vector<1264x128xf32> -> vector<1264x128xf32>
    %get3A_23 = arith.constant 0 : index
    %get3A_24 = arith.constant 0 : index
    %get3A_25 = vector.load %arg2[%get3A_23, %get3A_24] : memref<1264x128xf32, #tpu.memory_space<vmem>>, vector<1264x128xf32>
    %mul3A_26 = arith.mulf %dot_general3A_22, %get3A_25 : vector<1264x128xf32>
    %slice3A = vector.extract_strided_slice %mul3A_26 {offsets = [0, 0], sizes = [1250, 128], strides = [1, 1]} : vector<1264x128xf32> to vector<1250x128xf32>
    %swap3A = arith.constant 0 : index
    %swap3A_27 = arith.constant 0 : index
    %swap3A_28 = vector.load %arg5[%swap3A, %swap3A_27] : memref<1264x128xf32, #tpu.memory_space<vmem>>, vector<1250x128xf32>
    tpu.vector_store %arg5[%swap3A, %swap3A_27], %slice3A {strides = array<i32>} : memref<1264x128xf32, #tpu.memory_space<vmem>>, vector<1250x128xf32>,
    return
  }
}

module attributes {stable_mosaic.version = 14 : i64} {
  func.func @_out_body(%arg0: memref<2528x128xf32, #tpu.memory_space<vmem>>, %arg1: memref<1264x128xf32, #tpu.memory_space<vmem>>, %arg2: memref<1264x128xf32, #tpu.memory_space<vmem>>, %arg3: memref<1x128xf32, #tpu.memory_space<vmem>>, %arg4: memref<128x128xf32, #tpu.memory_space<vmem>>, %arg5: memref<1250x128xf32, #tpu.memory_space<vmem>>) attributes {dimension_semantics = [], scalar_prefetch = 0 : i64, scratch_operands = 0 : i64, tpu.core_type = #tpu.core_type<tc>} {
    %get3A = arith.constant 0 : index
    %get3A_0 = arith.constant 0 : index
    %get3A_1 = vector.load %arg0[%get3A, %get3A_0] : memref<2528x128xf32, #tpu.memory_space<vmem>>, vector<1250x128xf32>
    %get3A_2 = arith.constant 1264 : index
    %get3A_3 = arith.constant 0 : index
    %get3A_4 = vector.load %arg0[%get3A_2, %get3A_3] : memref<2528x128xf32, #tpu.memory_space<vmem>>, vector<1250x128xf32>
    %add3A = arith.addf %get3A_1, %get3A_4 : vector<1250x128xf32>
    %get3A_5 = arith.constant 0 : index
    %get3A_6 = arith.constant 0 : index
    %get3A_7 = vector.load %arg1[%get3A_5, %get3A_6] : memref<1264x128xf32, #tpu.memory_space<vmem>>, vector<1250x128xf32>
    %add3A_8 = arith.addf %add3A, %get3A_7 : vector<1250x128xf32>
    %get3A_9 = arith.constant 0 : index
    %get3A_10 = arith.constant 0 : index
    %get3A_11 = vector.load %arg2[%get3A_9, %get3A_10] : memref<1264x128xf32, #tpu.memory_space<vmem>>, vector<1250x128xf32>
    %mul3A = arith.mulf %get3A_11, %add3A_8 : vector<1250x128xf32>
    %get3A_12 = arith.constant 0 : index
    %get3A_13 = arith.constant 0 : index
    %get3A_14 = vector.load %arg3[%get3A_12, %get3A_13] : memref<1x128xf32, #tpu.memory_space<vmem>>, vector<1x128xf32>
    %add3A_15 = vector.broadcast %get3A_14 : vector<1x128xf32> to vector<1250x128xf32>
    %add3A_16 = arith.addf %mul3A, %add3A_15 : vector<1250x128xf32>
    %iota3A = tpu.iota {dimensions = array<i32: 1>} : vector<1250x128xi32>
    %slice3A = vector.extract_strided_slice %add3A_16 {offsets = [0, 1], sizes = [1250, 127], strides = [1, 1]} : vector<1250x128xf32> to vector<1250x127xf32>
    %slice3A_17 = vector.extract_strided_slice %add3A_16 {offsets = [0, 0], sizes = [1250, 1], strides = [1, 1]} : vector<1250x128xf32> to vector<1250x1xf32>
    %concatenate3A = tpu.concatenate %slice3A, %slice3A_17 in 1 : vector<1250x127xf32>, vector<1250x1xf32> -> vector<1250x128xf32>
    %slice3A_18 = vector.extract_strided_slice %add3A_16 {offsets = [0, 127], sizes = [1250, 1], strides = [1, 1]} : vector<1250x128xf32> to vector<1250x1xf32>
    %slice3A_19 = vector.extract_strided_slice %add3A_16 {offsets = [0, 0], sizes = [1250, 127], strides = [1, 1]} : vector<1250x128xf32> to vector<1250x127xf32>
    %concatenate3A_20 = tpu.concatenate %slice3A_18, %slice3A_19 in 1 : vector<1250x1xf32>, vector<1250x127xf32> -> vector<1250x128xf32>
    %and3A = arith.constant 1 : i32
    %and3A_21 = vector.broadcast %and3A : i32 to vector<1250x128xi32>
    %and3A_22 = arith.andi %iota3A, %and3A_21 : vector<1250x128xi32>
    %eq3A = arith.constant 0 : i32
    %eq3A_23 = vector.broadcast %eq3A : i32 to vector<1250x128xi32>
    %eq3A_24 = arith.cmpi eq, %and3A_22, %eq3A_23 : vector<1250x128xi32>
    %select_n3A = arith.select %eq3A_24, %concatenate3A, %concatenate3A_20 : vector<1250x128xi1>, vector<1250x128xf32>
    %max3A = arith.maximumf %add3A_16, %select_n3A : vector<1250x128xf32>
    %slice3A_25 = vector.extract_strided_slice %max3A {offsets = [0, 2], sizes = [1250, 126], strides = [1, 1]} : vector<1250x128xf32> to vector<1250x126xf32>
    %slice3A_26 = vector.extract_strided_slice %max3A {offsets = [0, 0], sizes = [1250, 2], strides = [1, 1]} : vector<1250x128xf32> to vector<1250x2xf32>
    %concatenate3A_27 = tpu.concatenate %slice3A_25, %slice3A_26 in 1 : vector<1250x126xf32>, vector<1250x2xf32> -> vector<1250x128xf32>
    %slice3A_28 = vector.extract_strided_slice %max3A {offsets = [0, 126], sizes = [1250, 2], strides = [1, 1]} : vector<1250x128xf32> to vector<1250x2xf32>
    %slice3A_29 = vector.extract_strided_slice %max3A {offsets = [0, 0], sizes = [1250, 126], strides = [1, 1]} : vector<1250x128xf32> to vector<1250x126xf32>
    %concatenate3A_30 = tpu.concatenate %slice3A_28, %slice3A_29 in 1 : vector<1250x2xf32>, vector<1250x126xf32> -> vector<1250x128xf32>
    %and3A_31 = arith.constant 2 : i32
    %and3A_32 = vector.broadcast %and3A_31 : i32 to vector<1250x128xi32>
    %and3A_33 = arith.andi %iota3A, %and3A_32 : vector<1250x128xi32>
    %eq3A_34 = arith.constant 0 : i32
    %eq3A_35 = vector.broadcast %eq3A_34 : i32 to vector<1250x128xi32>
    %eq3A_36 = arith.cmpi eq, %and3A_33, %eq3A_35 : vector<1250x128xi32>
    %select_n3A_37 = arith.select %eq3A_36, %concatenate3A_27, %concatenate3A_30 : vector<1250x128xi1>, vector<1250x128xf32>
    %max3A_38 = arith.maximumf %max3A, %select_n3A_37 : vector<1250x128xf32>
    %slice3A_39 = vector.extract_strided_slice %max3A_38 {offsets = [0, 4], sizes = [1250, 124], strides = [1, 1]} : vector<1250x128xf32> to vector<1250x124xf32>
    %slice3A_40 = vector.extract_strided_slice %max3A_38 {offsets = [0, 0], sizes = [1250, 4], strides = [1, 1]} : vector<1250x128xf32> to vector<1250x4xf32>
    %concatenate3A_41 = tpu.concatenate %slice3A_39, %slice3A_40 in 1 : vector<1250x124xf32>, vector<1250x4xf32> -> vector<1250x128xf32>
    %slice3A_42 = vector.extract_strided_slice %max3A_38 {offsets = [0, 124], sizes = [1250, 4], strides = [1, 1]} : vector<1250x128xf32> to vector<1250x4xf32>
    %slice3A_43 = vector.extract_strided_slice %max3A_38 {offsets = [0, 0], sizes = [1250, 124], strides = [1, 1]} : vector<1250x128xf32> to vector<1250x124xf32>
    %concatenate3A_44 = tpu.concatenate %slice3A_42, %slice3A_43 in 1 : vector<1250x4xf32>, vector<1250x124xf32> -> vector<1250x128xf32>
    %and3A_45 = arith.constant 4 : i32
    %and3A_46 = vector.broadcast %and3A_45 : i32 to vector<1250x128xi32>
    %and3A_47 = arith.andi %iota3A, %and3A_46 : vector<1250x128xi32>
    %eq3A_48 = arith.constant 0 : i32
    %eq3A_49 = vector.broadcast %eq3A_48 : i32 to vector<1250x128xi32>
    %eq3A_50 = arith.cmpi eq, %and3A_47, %eq3A_49 : vector<1250x128xi32>
    %select_n3A_51 = arith.select %eq3A_50, %concatenate3A_41, %concatenate3A_44 : vector<1250x128xi1>, vector<1250x128xf32>
    %max3A_52 = arith.maximumf %max3A_38, %select_n3A_51 : vector<1250x128xf32>
    %slice3A_53 = vector.extract_strided_slice %max3A_52 {offsets = [0, 8], sizes = [1250, 120], strides = [1, 1]} : vector<1250x128xf32> to vector<1250x120xf32>
    %slice3A_54 = vector.extract_strided_slice %max3A_52 {offsets = [0, 0], sizes = [1250, 8], strides = [1, 1]} : vector<1250x128xf32> to vector<1250x8xf32>
    %concatenate3A_55 = tpu.concatenate %slice3A_53, %slice3A_54 in 1 : vector<1250x120xf32>, vector<1250x8xf32> -> vector<1250x128xf32>
    %slice3A_56 = vector.extract_strided_slice %max3A_52 {offsets = [0, 120], sizes = [1250, 8], strides = [1, 1]} : vector<1250x128xf32> to vector<1250x8xf32>
    %slice3A_57 = vector.extract_strided_slice %max3A_52 {offsets = [0, 0], sizes = [1250, 120], strides = [1, 1]} : vector<1250x128xf32> to vector<1250x120xf32>
    %concatenate3A_58 = tpu.concatenate %slice3A_56, %slice3A_57 in 1 : vector<1250x8xf32>, vector<1250x120xf32> -> vector<1250x128xf32>
    %and3A_59 = arith.constant 8 : i32
    %and3A_60 = vector.broadcast %and3A_59 : i32 to vector<1250x128xi32>
    %and3A_61 = arith.andi %iota3A, %and3A_60 : vector<1250x128xi32>
    %eq3A_62 = arith.constant 0 : i32
    %eq3A_63 = vector.broadcast %eq3A_62 : i32 to vector<1250x128xi32>
    %eq3A_64 = arith.cmpi eq, %and3A_61, %eq3A_63 : vector<1250x128xi32>
    %select_n3A_65 = arith.select %eq3A_64, %concatenate3A_55, %concatenate3A_58 : vector<1250x128xi1>, vector<1250x128xf32>
    %max3A_66 = arith.maximumf %max3A_52, %select_n3A_65 : vector<1250x128xf32>
    %sub3A = arith.subf %add3A_16, %max3A_66 : vector<1250x128xf32>
    %exp3A = math.exp %sub3A : vector<1250x128xf32>
    %get3A_67 = arith.constant 0 : index
    %get3A_68 = arith.constant 0 : index
    %get3A_69 = vector.load %arg4[%get3A_67, %get3A_68] : memref<128x128xf32, #tpu.memory_space<vmem>>, vector<128x128xf32>
    %dot_general3A = arith.constant dense<0.000000e+00> : vector<1250x128xf32>
    %dot_general3A_70 = tpu.matmul %exp3A, %get3A_69, %dot_general3A {dimension_numbers = #tpu.dot_dimension_numbers<[1], [0], [0], [1], [0, 0, 1, 1], [], []>, transpose_lhs_hint = false} : vector<1250x128xf32>, vector<128x128xf32>, vector<1250x128xf32> -> vector<1250x128xf32>
    %log3A = math.log %dot_general3A_70 : vector<1250x128xf32>
    %sub3A_71 = arith.subf %sub3A, %log3A : vector<1250x128xf32>
    %swap3A = arith.constant 0 : index
    %swap3A_72 = arith.constant 0 : index
    %swap3A_73 = vector.load %arg5[%swap3A, %swap3A_72] : memref<1250x128xf32, #tpu.memory_space<vmem>>, vector<1250x128xf32>
    tpu.vector_store %arg5[%swap3A, %swap3A_72], %sub3A_71 {strides = array<i32>} : memref<1250x128xf32, #tpu.memory_space<vmem>>, vector<1250x128xf32>,
    return
  }
}

</mosaic_0001>

<sc_bundles>
// kernel: kernel.11.cloned.1.call-start
scs
__scs_entry_jumppad:
0x0: {  	(pc) =	sbr.rel $0x88, $3  }
0x1: {  	(tag) =	ssettag $0x0;
	lr =	simm.s32 $0x1  }
0x2: {  	[smem:$0x3F9B] =	sst lr;
	_ =	strace $0xD0000000  }
0x3: {  	_ = 	snop  }
0x4: {  	_ = 	snop  }
0x5: {  	_ = 	snop  }
0x6: {  	_ = 	snop  }
0x7: {  	_ = 	snop  }
__scs_overlays_trampoline_lowered:
0x8: {  	[smem:$0x3FAA] =	sst s0  }
0x9: {  	[smem:$0x3FAB] =	sst s1  }
0xa: {  	[smem:$0x3FAC] =	sst s2  }
0xb: {  	[smem:$0x3FAD] =	sst s3  }
0xc: {  	[smem:$0x3FAE] =	sst s4  }
0xd: {  	[smem:$0x3FAF] =	sst s5  }
0xe: {  	[smem:$0x3FB0] =	sst s6  }
0xf: {  	[smem:$0x3FB1] =	sst s7  }
0x10: {  	[smem:$0x3FB2] =	sst s8  }
0x11: {  	[smem:$0x3FB3] =	sst s9;
	s0 =	simm.s32 @!p0 $0x0  }
0x12: {  	s1 =	sld [smem:$0x3F99];
	s0 =	simm.s32 @p0 $0x1  }
0x13: {  	[smem:$0x3FB4] =	sst s0;
	s0 =	simm.s32 @!p1 $0x0  }
0x14: {  	s2 =	sld [smem:$0x3F98];
	s0 =	simm.s32 @p1 $0x1  }
0x15: {  	[smem:$0x3FB5] =	sst s0;
	s0 =	simm.s32 @!p2 $0x0  }
0x16: {  	s3 =	sld [smem:$0x3FDB];
	s0 =	simm.s32 @p2 $0x1  }
0x17: {  	s4 =	simm.s32 $0x1BF5;
	[smem:$0x3FB7] =	sst s0  }
0x18: {  	s0 =	sld [smem:$0x3F9A];
	_ =	swait.ge [sflag:s4], $0x0  }
0x19: {  	s7 =	sld [smem:$0x3F9B]  }
0x1a: {  	s8 =	sadd.s32 $0xFFFFE003, lr  }
0x1b: {  	s9 =	sadd.s32 $0xFFFFFEF7, lr;
	s5 =	simm.s32 $0xFFFFFFFF;
	p2 =	slt.u32 s8, $0xFFFFF086  }
0x1c: {  	p1 =	slt.u32 s9, $0xF7A;
	s5 =	simm.s32 @!p2 $0x0  }
0x1d: {  	s5 =	simm.s32 @p1 $0x1;
	p0 =	seq.s32 s7, s2  }
0x1e: {  	s7 =	smul.u32 @!p0 $0xF7A, s2;
	p2 =	seq.s32 @!p0 s5, $0x0  }
0x1f: {  	s9 =	smul.u32 $0xF7A, s1;
	s8 =	simm.s32 @!p0 $0x1BF5;
	p2 =	por !p2, p0  }
0x20: {  	[sflag:s8] =	ssyncset.s32 @!p0 $0xFFFFF086;
	s6 =	sadd.s32 @!p0 s3, s7;
	s7 =	simm.s32 @!p0 $0x108  }
0x21: {  	s3 =	sadd.s32 s3, s9;
	s6 =	sadd.s32 @!p0 $0x88, s6;
	s7 =	simm.s32 @p2 $0x1082  }
0x22: {  	[simem:s7], [sflag:s8] =	dma.local @!p0 [hbm:s6], $0xF7A  }
0x23: {  	s9 =	sor.u32 $0xD0000000, s2;
	s6 =	simm.s32 $0x108;
	_ =	swait.ge @!p0 [sflag:s8], $0x0  }
0x24: {  	s3 =	sadd.s32 $0x88, s3;
	s6 =	simm.s32 @!p1 $0x1082;
	[sflag:s4] =	ssyncset.s32 $0xFFFFF086  }
0x25: {  	[simem:s6], [sflag:s4] =	dma.local [hbm:s3], $0xF7A  }
0x26: {  	[smem:$0x3F9B] =	sst s1;
	(tag) =	ssettag s2;
	_ =	strace s9  }
0x27: {  	s1 =	sld [smem:$0x3FAB]  }
0x28: {  	s2 =	sld [smem:$0x3FAC]  }
0x29: {  	s4 =	sld [smem:$0x3FAE]  }
0x2a: {  	p0 =	seq.s32 s5, $0x0;
	s5 =	sld [smem:$0x3FAF]  }
0x2b: {  	s6 =	sld [smem:$0x3FB0]  }
0x2c: {  	s7 =	sld [smem:$0x3FB1]  }
0x2d: {  	s3 =	simm.s32 $0x108;
	s8 =	sld [smem:$0x3FB2]  }
0x2e: {  	s3 =	simm.s32 @!p0 $0x1082;
	s9 =	sld [smem:$0x3FB3]  }
0x2f: {  	lr =	sadd.s32 s0, s3;
	s0 =	sld [smem:$0x3FAA]  }
0x30: {  	s3 =	sld [smem:$0x3FAD]  }
0x31: {  	[smem:$0x3FB6] =	sst s10  }
0x32: {  	s10 =	sld [smem:$0x3FB4];
	_ =	sdelay $0x3  }
0x33: {  	p0 =	seq.s32 s10, $0x1;
	s10 =	sld [smem:$0x3FB6];
	_ =	sdelay $0x3  }
0x34: {  	[smem:$0x3FB6] =	sst s10  }
0x35: {  	s10 =	sld [smem:$0x3FB5];
	_ =	sdelay $0x3  }
0x36: {  	p1 =	seq.s32 s10, $0x1;
	s10 =	sld [smem:$0x3FB6];
	_ =	sdelay $0x3  }
0x37: {  	[smem:$0x3FB6] =	sst s10  }
0x38: {  	s10 =	sld [smem:$0x3FB7]  }
0x39: {  	_ = 	snop;
	(pc) =	sbr.ind lr, $3  }
0x3a: {  	_ = 	snop  }
0x3b: {  	_ = 	snop  }
0x3c: {  	p2 =	seq.s32 s10, $0x1;
	s10 =	sld [smem:$0x3FB6]  }
0x3d: {  	_ =	shalt  }
0x3e: {  	_ =	shalt  }
0x3f: {  	_ =	shalt  }
0x40: {  	_ =	shalt  }
0x41: {  	_ =	shalt  }
0x42: {  	_ =	shalt  }
0x43: {  	_ =	shalt  }
0x44: {  	_ =	shalt  }
0x45: {  	_ =	shalt  }
0x46: {  	_ =	shalt  }
0x47: {  	_ =	shalt  }
0x48: {  	_ =	shalt  }
0x49: {  	_ =	shalt  }
0x4a: {  	_ =	shalt  }
0x4b: {  	_ =	shalt  }
0x4c: {  	_ =	shalt  }
0x4d: {  	_ =	shalt  }
0x4e: {  	_ =	shalt  }
0x4f: {  	_ =	shalt  }
0x50: {  	_ =	shalt  }
0x51: {  	_ =	shalt  }
0x52: {  	_ =	shalt  }
0x53: {  	_ =	shalt  }
0x54: {  	_ =	shalt  }
0x55: {  	_ =	shalt  }
0x56: {  	_ =	shalt  }
0x57: {  	_ =	shalt  }
0x58: {  	_ =	shalt  }
0x59: {  	_ =	shalt  }
0x5a: {  	_ =	shalt  }
0x5b: {  	_ =	shalt  }
0x5c: {  	_ =	shalt  }
0x5d: {  	_ =	shalt  }
0x5e: {  	_ =	shalt  }
0x5f: {  	_ =	shalt  }
0x60: {  	_ =	shalt  }
0x61: {  	_ =	shalt  }
0x62: {  	_ =	shalt  }
0x63: {  	_ =	shalt  }
0x64: {  	_ =	shalt  }
0x65: {  	_ =	shalt  }
0x66: {  	_ =	shalt  }
0x67: {  	_ =	shalt  }
0x68: {  	_ =	shalt  }
0x69: {  	_ =	shalt  }
0x6a: {  	_ =	shalt  }
0x6b: {  	_ =	shalt  }
0x6c: {  	_ =	shalt  }
0x6d: {  	_ =	shalt  }
0x6e: {  	_ =	shalt  }
0x6f: {  	_ =	shalt  }
0x70: {  	_ =	shalt  }
0x71: {  	_ =	shalt  }
0x72: {  	_ =	shalt  }
0x73: {  	_ =	shalt  }
0x74: {  	_ =	shalt  }
0x75: {  	_ =	shalt  }
0x76: {  	_ =	shalt  }
0x77: {  	_ =	shalt  }
0x78: {  	_ =	shalt  }
0x79: {  	_ =	shalt  }
0x7a: {  	_ =	shalt  }
0x7b: {  	_ =	shalt  }
0x7c: {  	_ =	shalt  }
0x7d: {  	_ =	shalt  }
0x7e: {  	_ =	shalt  }
0x7f: {  	_ =	shalt  }
0x80: {  	_ =	shalt  }
0x81: {  	_ =	shalt  }
0x82: {  	_ =	shalt  }
0x83: {  	_ =	shalt  }
0x84: {  	_ =	shalt  }
0x85: {  	_ =	shalt  }
0x86: {  	_ =	shalt  }
0x87: {  	_ =	shalt  }
.Lfunc_end0:
.L_simem_size_0:
called_computation.1_lowered:
.L_overlay_start_0:
0x88: {  	s2 =	sld [smem:$0x3FD9]  }
0x89: {  	s3 =	sld [smem:$0x3FFE];
	_ =	sdelay $0x1  }
0x8a: {  	s1 =	srdreg.scid  }
0x8b: {  	s0 =	sand.u32 $0x1, s1  }
0x8c: {  	s17 =	sshll.u32 s0, $0xA;
	s2 =	sadd.s32 s3, s2  }
0x8d: {  	s2 =	sadd.s32 s2, s17  }
0x8e: {  	[smem:$0x3FC2] =	sst s2  }
0x8f: {  	_ = 	snop  }
0x90: {  	s2 =	sld [smem:$0x3FD0];
	(tm) =	ssettm $0x1  }
0x91: {  	s18 =	sld [smem:$0x3FFB];
	_ =	sdelay $0x3  }
0x92: {  	_ =	strace s18  }
0x93: {  	s3 =	sld [smem:$0x3FFC];
	_ =	sdelay $0x3  }
0x94: {  	_ =	strace s3  }
0x95: {  	s3 =	sld [smem:$0x3FFD];
	_ =	sdelay $0x3  }
0x96: {  	_ =	strace s3  }
0x97: {  	_ =	strace $0x8FFFFFFF  }
0x98: {  	s19 =	sld [smem:$0x3FDB];
	_ =	sdelay $0x1  }
0x99: {  	s4 =	simm.s32 $_scs_section_size  }
0x9a: {  	s5 =	simm.s32 $_size__tile_overlayer_lowered;
	s6 =	simm.s32 $_tile_overlayer_lowered  }
0x9b: {  	s22 =	simm.s32 $0x1BFF;
	s21 =	sshll.u32 s6, $0x1;
	s3 =	sadd.s32 s4, s19  }
0x9c: {  	s7 =	simm.s32 $0x0;
	s20 =	sshll.u32 s5, $0x1;
	s5 =	sadd.s32 s21, s3  }
0x9d: {  	[timem:s7], [sflag:s22] =	dma.local [hbm:s5], s20  }
0x9e: {  	_ =	swait.ge [sflag:s22], s20  }
0x9f: {  	s4 =	ssub.s32 $0x0, s20;
	[sflag:s22] =	ssyncset.done $0x0  }
0xa0: {  	[sflag:s22] =	ssyncadd.s32 s4;
	_ =	sdelay $0x1  }
0xa1: {  	s23 =	simm.s32 $0x1B8B  }
0xa2: {  	_ =	swait.ge [sflag:s23], $0x1  }
0xa3: {  	[sflag:s23] =	ssyncset.done $0x0  }
0xa4: {  	s25 =	simm.s32 $0x1B8E;
	s24 =	sld [smem:$0x3FFE];
	[sflag:s23] =	ssyncadd.s32 $0xFFFFFFFF  }
0xa5: {  	s26 =	simm.s32 $execute0_lowered;
	[smem:$0x3FD2] =	sst s25  }
0xa6: {  	s5 =	sshll.u32 s26, $0x1;
	_ =	strace $0x80000049;
	[dreg:$0x1] =	wrdreg $0xFFFFFFFF  }
0xa7: {  	s28 =	simm.s32 $_size_execute0_lowered;
	s3 =	sadd.s32 s3, s5;
	[dreg:$0x0] =	wrdreg $0x0  }
0xa8: {  	s5 =	sshll.u32 s28, $0x1;
	[dreg:$0x2] =	wrdreg s3  }
0xa9: {  	[dreg:$0x3] =	wrdreg s5  }
0xaa: {  	[dreg:$0x4] =	wrdreg $0xC0  }
0xab: {  	_ =	task [dreg:s7], $0x5FFFF  }
0xac: {  	[dreg:$0x1] =	wrdreg $0xFFFFFFFF  }
0xad: {  	[dreg:$0x0] =	wrdreg $0x60  }
0xae: {  	[dreg:$0x2] =	wrdreg s24  }
0xaf: {  	[dreg:$0x3] =	wrdreg s2  }
0xb0: {  	[dreg:$0x4] =	wrdreg $0x86800  }
0xb1: {  	[dreg:$0x5] =	wrdreg $0x5F000  }
0xb2: {  	[dreg:$0x6] =	wrdreg $0x9  }
0xb3: {  	_ =	task.clear_ibuf [dreg:s7], $0x7FFFF;
	_ =	strace $0x90000049  }
0xb4: {  	s29 =	simm.s32 $0x9;
	_ =	strace $0x8000004B  }
0xb5: {  	_ =	swait.ge [sflag:s29], $0x1  }
0xb6: {  	[sflag:s29] =	ssyncadd.s32 $0xFFFFFFFF  }
0xb7: {  	_ =	strace $0x9000004B  }
0xb8: {  	_ =	sfence  }
0xb9: {  	s30 =	sld [smem:$0x0];
	_ =	sdelay $0x2  }
0xba: {  	s31 =	sshll.u32 s1, $0xD;
	s1 =	sshrl.u32 s1, $0x2  }
0xbb: {  	s3 =	sand.u32 $0x4000, s31;
	s1 =	sadd.s32 s1, s30  }
0xbc: {  	s0 =	sor.u32 s3, s0;
	s1 =	sshll.u32 s1, $0x11  }
0xbd: {  	s0 =	sor.u32 s1, s0  }
0xbe: {  	s0 =	sadd.s32 $0x8F2B, s0  }
0xbf: {  	[sflag:s0] =	ssyncadd.remote.s32 $0x1  }
0xc0: {  	_ =	sfence.sel $0xFFFF  }
0xc1: {  	[dreg:$0x0] =	wrdreg $0xFFFFFFFF;
	(pc) =	sbr.abs _section_cstart, $3  }
0xc2: {  	[dreg:$0x1] =	wrdreg $0xFFFFFFFF  }
0xc3: {  	_ =	task.clear_ibuf [dreg:s7], $0x2FFFF;
	_ =	strace $0x9FFFFFFF  }
0xc4: {  	(tm) =	ssettm $0x7FFFFFFF  }
0xc5: {  	_ =	shalt  }
tec
execute0_lowered:
.L_overlay_start_1:
0x0: {  	(tag) =	ssettag $0x1  }
0x1: {  	s5 =	rddreg [dreg:$0x0]  }
0x2: {  	s6 =	rddreg [dreg:$0x1]  }
0x3: {  	s2 =	rddreg [dreg:$0x2]  }
0x4: {  	s3 =	rddreg [dreg:$0x3]  }
0x5: {  	s0 =	stileid.u32;
	s8 =	srdreg.scid  }
0x6: {  	s1 =	rddreg [dreg:$0x4];
	s4 =	simm.s32 $0x0;
	s18 =	simm.s32 $0x80  }
0x7: {  	s19 =	simm.s32 $0x4F00;
	s20 =	simm.s32 $0x5700;
	s21 =	simm.s32 $0x2800  }
0x8: {  	s22 =	simm.s32 $0x1;
	s23 =	simm.s32 $0x2;
	s24 =	simm.s32 $0x0  }
0x9: {  	s7 =	smul.u32 $0x2780, s0;
	s8 =	sand.u32 $0x1, s8;
	[smem:$0x7FF] =	sst s4  }
0xa: {  	s12 =	sadd.s32 $0x2C00, s5;
	s15 =	sshll.u32 s0, $0x1;
	s28 =	sshll.u32 s0, $0x6  }
0xb: {  	p0 =	sgt.u32 s0, $0x1;
	s10 =	smul.u32 $0x27800, s8;
	_ =	strace $0x8000004A  }
0xc: {  	s13 =	ssub.s32 $0x2, s8;
	s8 =	sor.u32 s8, s15;
	s9 =	sshrl.u32 s7, $0x3  }
0xd: {  	s14 =	sshrl.u32 s13, $0x1;
	s26 =	sadd.s32 s7, s2;
	s15 =	smul.u32 $0x2700, s8  }
0xe: {  	s17 =	sadd.s32 s7, s3;
	s29 =	smul.u32 $0x4E0, s8;
	s8 =	sshll.u32 s8, $0x4  }
0xf: {  	s11 =	sadd.s32 s9, s5;
	s10 =	sadd.s32 s7, s10;
	s13 =	ssub.s32 s13, s14  }
0x10: {  	s31 =	sadd.s32 s8, s12;
	s14 =	sshrl.u32 s26, $0x3;
	s10 =	sshrl.u32 s10, $0x3  }
0x11: {  	s30 =	sshrl.u32 s15, $0x3;
	s7 =	sadd.s32 $0x16600, s11;
	s8 =	sadd.s32 s12, s29  }
0x12: {  	s11 =	sadd.s32 $0x13840, s31;
	s13 =	smax.u32 s13, $0x1;
	s15 =	simm.s32 $0x3  }
0x13: {  	s16 =	sadd.s32 s10, s5;
	s5 =	sadd.s32 s6, s9;
	s10 =	sadd.s32 s12, s30  }
0x14: {  	s6 =	sor.u32 $0x1C03, s28;
	s9 =	sadd.s32 $0x9C40, s10;
	s10 =	sadd.s32 $0x9C00, s31  }
0x15: {  	s12 =	sadd.s32 $0x1B600, s16;
	s16 =	sshrl.u32 s17, $0x3;
	s17 =	simm.s32 $0x2780  }
.LBB2_1:
0x16: {  	[spmem:s14], [sflag:s6] =	dma.local [hbm:s5], $0x4F0  }
0x17: {  	_ =	swait.ge [sflag:s15], $0x4F0  }
0x18: {  	[sflag:s15] =	ssyncset.done $0x0  }
0x19: {  	[sflag:s15] =	ssyncadd.s32 $0xFFFFFB10  }
0x1a: {  	[spmem:s16], [sflag:s6] =	dma.local [hbm:s7], $0x4F0  }
0x1b: {  	_ =	swait.ge [sflag:s15], $0x4F0  }
0x1c: {  	[sflag:s15] =	ssyncset.done $0x0  }
0x1d: {  	[sflag:s15] =	ssyncadd.s32 $0xFFFFFB10  }
0x1e: {  	[tilespmem:s4], [sflag:$0x3] =	stream.linear.gather [hbm4b:s8+s4], $0x2700, $0x38;
	[tilespmem:$0xAE00] =	vst v63  }
0x1f: {  	_ =	swait.ge [sflag:s15], $0x2700  }
0x20: {  	[sflag:s15] =	ssyncset.done $0x0  }
0x21: {  	[sflag:s15] =	ssyncadd.s32 $0xFFFFD900  }
0x22: {  	[tilespmem:s17], [sflag:$0x3] =	stream.linear.gather [hbm4b:s9+s4], $0x2700, $0x38;
	[tilespmem:$0xAE00] =	vst v63  }
0x23: {  	_ =	swait.ge [sflag:s15], $0x2700  }
0x24: {  	[sflag:s15] =	ssyncset.done $0x0  }
0x25: {  	s25 =	simm.s32 @!p0 $0x0;
	s26 =	simm.s32 @!p0 $0x2700;
	[sflag:s15] =	ssyncadd.s32 $0xFFFFD900  }
0x26: {  	[tilespmem:s26], [sflag:$0x3] =	stream.linear.gather @!p0 [hbm4b:s10+s25], $0x80, $0x38;
	[tilespmem:$0xAE00] =	vst v63  }
0x27: {  	s26 =	simm.s32 @!p0 $0x3  }
0x28: {  	_ =	swait.ge @!p0 [sflag:s26], $0x80  }
0x29: {  	[sflag:s26] =	ssyncset.done @!p0 $0x0  }
0x2a: {  	s28 =	simm.s32 @!p0 $0x4E80;
	[sflag:s26] =	ssyncadd.s32 @!p0 $0xFFFFFF80  }
0x2b: {  	[tilespmem:s28], [sflag:$0x3] =	stream.linear.gather @!p0 [hbm4b:s11+s25], $0x80, $0x38;
	[tilespmem:$0xAE00] =	vst v63  }
0x2c: {  	_ =	swait.ge @!p0 [sflag:s26], $0x80  }
0x2d: {  	[sflag:s26] =	ssyncset.done @!p0 $0x0  }
0x2e: {  	[sflag:s26] =	ssyncadd.s32 @!p0 $0xFFFFFF80  }
0x2f: {  	[bflag:$0x0] =	sbarrier.arrive $0xFFFF  }
0x30: {  	[tilespmem:s19], [sflag:$0x3] =	stream.indirect.gather [spmem:s3], $0x10, s4, s18, $0xb8;
	[tilespmem:$0xAE00] =	vst v63  }
0x31: {  	_ =	swait.ge [sflag:s15], $0x800  }
0x32: {  	[sflag:s15] =	ssyncset.done $0x0  }
0x33: {  	[sflag:s15] =	ssyncadd.s32 $0xFFFFF800  }
0x34: {  	[spmem:s2] =	stream.indirect.scatter.add.f32 [tilespmem:s19], [sflag:$0x1], $0x10, s17, s18, $0xb8;
	[tilespmem:$0xAE00] =	vst v63  }
0x35: {  	_ = 	snop  }
0x36: {  	[tilespmem:s20], [sflag:$0x3] =	stream.indirect.gather [spmem:s3], $0x10, s18, s18, $0xb8;
	[tilespmem:$0xAE00] =	vst v63  }
0x37: {  	_ =	swait.ge [sflag:s15], $0x800  }
0x38: {  	[sflag:s15] =	ssyncset.done $0x0  }
0x39: {  	[sflag:s15] =	ssyncadd.s32 $0xFFFFF800  }
0x3a: {  	[spmem:s2] =	stream.indirect.scatter.add.f32 [tilespmem:s20], [sflag:$0x2], $0x10, s21, s18, $0xb8;
	[tilespmem:$0xAE00] =	vst v63  }
0x3b: {  	_ =	swait.ge [sflag:s22], $0x800  }
0x3c: {  	[sflag:s22] =	ssyncset.done $0x0  }
0x3d: {  	s29 =	simm.s32 $0x100;
	[sflag:s22] =	ssyncadd.s32 $0xFFFFF800  }
0x3e: {  	[tilespmem:s19], [sflag:$0x3] =	stream.indirect.gather [spmem:s3], $0x10, s29, s18, $0xb8;
	[tilespmem:$0xAE00] =	vst v63  }
0x3f: {  	_ =	swait.ge [sflag:s15], $0x800  }
0x40: {  	[sflag:s15] =	ssyncset.done $0x0  }
0x41: {  	s30 =	simm.s32 $0x2880;
	[sflag:s15] =	ssyncadd.s32 $0xFFFFF800  }
0x42: {  	[spmem:s2] =	stream.indirect.scatter.add.f32 [tilespmem:s19], [sflag:$0x1], $0x10, s30, s18, $0xb8;
	[tilespmem:$0xAE00] =	vst v63  }
0x43: {  	_ =	swait.ge [sflag:s23], $0x800  }
0x44: {  	[sflag:s23] =	ssyncset.done $0x0  }
0x45: {  	s31 =	simm.s32 $0x180;
	[sflag:s23] =	ssyncadd.s32 $0xFFFFF800  }
0x46: {  	[tilespmem:s20], [sflag:$0x3] =	stream.indirect.gather [spmem:s3], $0x10, s31, s18, $0xb8;
	[tilespmem:$0xAE00] =	vst v63  }
0x47: {  	_ =	swait.ge [sflag:s15], $0x800  }
0x48: {  	[sflag:s15] =	ssyncset.done $0x0  }
0x49: {  	s25 =	simm.s32 $0xFFFF6C00;
	s26 =	simm.s32 $0x2900;
	[sflag:s15] =	ssyncadd.s32 $0xFFFFF800  }
.LBB2_2:
0x4a: {  	[spmem:s2] =	stream.indirect.scatter.add.f32 [tilespmem:s20], [sflag:$0x2], $0x10, s26, s18, $0xb8;
	[tilespmem:$0xAE00] =	vst v63  }
0x4b: {  	s26 =	smov.u32 s25  }
0x4c: {  	p1 =	sne.s32 s25, $0xFFFFFC00;
	s25 =	sadd.s32 $0x400, s25;
	_ =	swait.ge [sflag:s22], $0x800  }
0x4d: {  	s26 =	sshra.s32 s26, $0x2;
	[sflag:s22] =	ssyncset.done $0x0  }
0x4e: {  	s28 =	sadd.s32 $0x2700, s26;
	[sflag:s22] =	ssyncadd.s32 $0xFFFFF800  }
0x4f: {  	[tilespmem:s19], [sflag:$0x3] =	stream.indirect.gather [spmem:s3], $0x10, s28, s18, $0xb8;
	[tilespmem:$0xAE00] =	vst v63  }
0x50: {  	_ =	swait.ge [sflag:s15], $0x800  }
0x51: {  	[sflag:s15] =	ssyncset.done $0x0  }
0x52: {  	s28 =	sadd.s32 $0x4E80, s26;
	[sflag:s15] =	ssyncadd.s32 $0xFFFFF800  }
0x53: {  	[spmem:s2] =	stream.indirect.scatter.add.f32 [tilespmem:s19], [sflag:$0x1], $0x10, s28, s18, $0xb8;
	[tilespmem:$0xAE00] =	vst v63  }
0x54: {  	_ =	swait.ge [sflag:s23], $0x800  }
0x55: {  	[sflag:s23] =	ssyncset.done $0x0  }
.Ltmp0:
0x56: {  	s28 =	sadd.s32 $0x2780, s26;
	[sflag:s23] =	ssyncadd.s32 $0xFFFFF800;
	(pc) =	sbr.rel @p1 .LBB2_2-.Ltmp0, $4  }
0x57: {  	[tilespmem:s20], [sflag:$0x3] =	stream.indirect.gather [spmem:s3], $0x10, s28, s18, $0xb8;
	[tilespmem:$0xAE00] =	vst v63  }
0x58: {  	_ =	swait.ge [sflag:s15], $0x800  }
0x59: {  	[sflag:s15] =	ssyncset.done $0x0  }
0x5a: {  	s26 =	sadd.s32 $0x4F00, s26;
	[sflag:s15] =	ssyncadd.s32 $0xFFFFF800  }
0x5b: {  	[spmem:s2] =	stream.indirect.scatter.add.f32 [tilespmem:s20], [sflag:$0x2], $0x10, s26, s18, $0xb8;
	[tilespmem:$0xAE00] =	vst v63  }
0x5c: {  	_ =	swait.ge [sflag:s22], $0x800  }
0x5d: {  	[sflag:s22] =	ssyncset.done $0x0  }
0x5e: {  	[sflag:s22] =	ssyncadd.s32 $0xFFFFF800  }
0x5f: {  	_ =	swait.ge [sflag:s23], $0x800  }
0x60: {  	s25 =	simm.s32 @!p0 $0x80;
	[sflag:s23] =	ssyncset.done $0x0  }
0x61: {  	s26 =	simm.s32 @!p0 $0x2700;
	s28 =	simm.s32 @!p0 $0x4F00;
	[sflag:s23] =	ssyncadd.s32 $0xFFFFF800  }
0x62: {  	[tilespmem:s28], [sflag:$0x3] =	stream.indirect.gather @!p0 [spmem:s3], $0x10, s26, s25, $0xb8;
	[tilespmem:$0xAE00] =	vst v63  }
0x63: {  	s26 =	simm.s32 @!p0 $0x3  }
0x64: {  	_ =	swait.ge @!p0 [sflag:s26], $0x800  }
0x65: {  	[sflag:s26] =	ssyncset.done @!p0 $0x0  }
0x66: {  	s29 =	simm.s32 @!p0 $0x4E80;
	[sflag:s26] =	ssyncadd.s32 @!p0 $0xFFFFF800  }
0x67: {  	[spmem:s2] =	stream.indirect.scatter.add.f32 @!p0 [tilespmem:s28], [sflag:$0x3], $0x10, s29, s25, $0xb8;
	[tilespmem:$0xAE00] =	vst v63  }
0x68: {  	_ =	swait.ge @!p0 [sflag:s26], $0x800  }
0x69: {  	s24 =	sadd.s32 $0x1, s24;
	[sflag:s26] =	ssyncset.done @!p0 $0x0  }
0x6a: {  	p1 =	sne.s32 s24, s13;
	[sflag:s26] =	ssyncadd.s32 @!p0 $0xFFFFF800  }
.Ltmp1:
0x6b: {  	[bflag:$0x0] =	sbarrier.arrive $0xFFFF;
	(pc) =	sbr.rel @p1 .LBB2_1-.Ltmp1, $4  }
0x6c: {  	[hbm:s12], [sflag:s6] =	dma.local [spmem:s14], $0x4F0  }
0x6d: {  	_ =	swait.ge [sflag:s15], $0x4F0  }
0x6e: {  	[sflag:s15] =	ssyncset.done $0x0  }
0x6f: {  	[sflag:s15] =	ssyncadd.s32 $0xFFFFFB10  }
0x70: {  	_ =	sfence.sel $0x180000  }
0x71: {  	[bflag:$0x0] =	sbarrier.arrive $0xFFFF  }
0x72: {  	p0 =	sne.s32 s0, $0x0;
	_ =	strace $0x9000004A  }
0x73: {  	s0 =	sadd.s32 @!p0 $0x100000, s1;
	[bflag:$0x2] =	sbarrier.arrive $0xFFFF  }
0x74: {  	[sflag:s0] =	ssyncadd.tile.s32 @!p0 $0x1;
	_ =	shalt  }
.Lfunc_end2:
_tile_overlayer_lowered:
.L_overlay_start_2:
0x75: {  	(tag) =	ssettag $0x2  }
0x76: {  	s0 =	rddreg [dreg:$0x0];
	s2 =	stileid.u32  }
0x77: {  	s1 =	rddreg [dreg:$0x1];
	p0 =	sne.s32 s2, $0x0  }
0x78: {  	s3 =	rddreg [dreg:$0x2];
	[bflag:$0x3] =	sbarrier.arrive $0xFFFF;
	s2 =	simm.s32 @!p0 $0x1C03  }
0x79: {  	[timem:s3], [sflag:s2] =	dma.local @!p0 [hbm:s0], s1  }
0x7a: {  	s0 =	simm.s32 @!p0 $0x3  }
0x7b: {  	_ =	swait.ge @!p0 [sflag:s0], s1  }
0x7c: {  	s1 =	ssub.s32 @!p0 $0x0, s1;
	[sflag:s0] =	ssyncset.done @!p0 $0x0  }
0x7d: {  	[sflag:s0] =	ssyncadd.s32 @!p0 s1  }
0x7e: {  	[bflag:$0x3] =	sbarrier.arrive $0xFFFF  }
0x7f: {  	_ =	shalt  }

// kernel: kernel.14.cloned.1.call-start
scs
__scs_entry_jumppad:
0x0: {  	(pc) =	sbr.rel $0x88, $3  }
0x1: {  	(tag) =	ssettag $0x0;
	lr =	simm.s32 $0x1  }
0x2: {  	[smem:$0x3F9B] =	sst lr;
	_ =	strace $0xD0000000  }
0x3: {  	_ = 	snop  }
0x4: {  	_ = 	snop  }
0x5: {  	_ = 	snop  }
0x6: {  	_ = 	snop  }
0x7: {  	_ = 	snop  }
__scs_overlays_trampoline_lowered:
0x8: {  	[smem:$0x3FAA] =	sst s0  }
0x9: {  	[smem:$0x3FAB] =	sst s1  }
0xa: {  	[smem:$0x3FAC] =	sst s2  }
0xb: {  	[smem:$0x3FAD] =	sst s3  }
0xc: {  	[smem:$0x3FAE] =	sst s4  }
0xd: {  	[smem:$0x3FAF] =	sst s5  }
0xe: {  	[smem:$0x3FB0] =	sst s6  }
0xf: {  	[smem:$0x3FB1] =	sst s7  }
0x10: {  	[smem:$0x3FB2] =	sst s8  }
0x11: {  	[smem:$0x3FB3] =	sst s9;
	s0 =	simm.s32 @!p0 $0x0  }
0x12: {  	s1 =	sld [smem:$0x3F99];
	s0 =	simm.s32 @p0 $0x1  }
0x13: {  	[smem:$0x3FB4] =	sst s0;
	s0 =	simm.s32 @!p1 $0x0  }
0x14: {  	s2 =	sld [smem:$0x3F98];
	s0 =	simm.s32 @p1 $0x1  }
0x15: {  	[smem:$0x3FB5] =	sst s0;
	s0 =	simm.s32 @!p2 $0x0  }
0x16: {  	s3 =	sld [smem:$0x3FDB];
	s0 =	simm.s32 @p2 $0x1  }
0x17: {  	s4 =	simm.s32 $0x1BF5;
	[smem:$0x3FB7] =	sst s0  }
0x18: {  	s0 =	sld [smem:$0x3F9A];
	_ =	swait.ge [sflag:s4], $0x0  }
0x19: {  	s7 =	sld [smem:$0x3F9B]  }
0x1a: {  	s8 =	sadd.s32 $0xFFFFE003, lr  }
0x1b: {  	s9 =	sadd.s32 $0xFFFFFEF7, lr;
	s5 =	simm.s32 $0xFFFFFFFF;
	p2 =	slt.u32 s8, $0xFFFFF086  }
0x1c: {  	p1 =	slt.u32 s9, $0xF7A;
	s5 =	simm.s32 @!p2 $0x0  }
0x1d: {  	s5 =	simm.s32 @p1 $0x1;
	p0 =	seq.s32 s7, s2  }
0x1e: {  	s7 =	smul.u32 @!p0 $0xF7A, s2;
	p2 =	seq.s32 @!p0 s5, $0x0  }
0x1f: {  	s9 =	smul.u32 $0xF7A, s1;
	s8 =	simm.s32 @!p0 $0x1BF5;
	p2 =	por !p2, p0  }
0x20: {  	[sflag:s8] =	ssyncset.s32 @!p0 $0xFFFFF086;
	s6 =	sadd.s32 @!p0 s3, s7;
	s7 =	simm.s32 @!p0 $0x108  }
0x21: {  	s3 =	sadd.s32 s3, s9;
	s6 =	sadd.s32 @!p0 $0x88, s6;
	s7 =	simm.s32 @p2 $0x1082  }
0x22: {  	[simem:s7], [sflag:s8] =	dma.local @!p0 [hbm:s6], $0xF7A  }
0x23: {  	s9 =	sor.u32 $0xD0000000, s2;
	s6 =	simm.s32 $0x108;
	_ =	swait.ge @!p0 [sflag:s8], $0x0  }
0x24: {  	s3 =	sadd.s32 $0x88, s3;
	s6 =	simm.s32 @!p1 $0x1082;
	[sflag:s4] =	ssyncset.s32 $0xFFFFF086  }
0x25: {  	[simem:s6], [sflag:s4] =	dma.local [hbm:s3], $0xF7A  }
0x26: {  	[smem:$0x3F9B] =	sst s1;
	(tag) =	ssettag s2;
	_ =	strace s9  }
0x27: {  	s1 =	sld [smem:$0x3FAB]  }
0x28: {  	s2 =	sld [smem:$0x3FAC]  }
0x29: {  	s4 =	sld [smem:$0x3FAE]  }
0x2a: {  	p0 =	seq.s32 s5, $0x0;
	s5 =	sld [smem:$0x3FAF]  }
0x2b: {  	s6 =	sld [smem:$0x3FB0]  }
0x2c: {  	s7 =	sld [smem:$0x3FB1]  }
0x2d: {  	s3 =	simm.s32 $0x108;
	s8 =	sld [smem:$0x3FB2]  }
0x2e: {  	s3 =	simm.s32 @!p0 $0x1082;
	s9 =	sld [smem:$0x3FB3]  }
0x2f: {  	lr =	sadd.s32 s0, s3;
	s0 =	sld [smem:$0x3FAA]  }
0x30: {  	s3 =	sld [smem:$0x3FAD]  }
0x31: {  	[smem:$0x3FB6] =	sst s10  }
0x32: {  	s10 =	sld [smem:$0x3FB4];
	_ =	sdelay $0x3  }
0x33: {  	p0 =	seq.s32 s10, $0x1;
	s10 =	sld [smem:$0x3FB6];
	_ =	sdelay $0x3  }
0x34: {  	[smem:$0x3FB6] =	sst s10  }
0x35: {  	s10 =	sld [smem:$0x3FB5];
	_ =	sdelay $0x3  }
0x36: {  	p1 =	seq.s32 s10, $0x1;
	s10 =	sld [smem:$0x3FB6];
	_ =	sdelay $0x3  }
0x37: {  	[smem:$0x3FB6] =	sst s10  }
0x38: {  	s10 =	sld [smem:$0x3FB7]  }
0x39: {  	_ = 	snop;
	(pc) =	sbr.ind lr, $3  }
0x3a: {  	_ = 	snop  }
0x3b: {  	_ = 	snop  }
0x3c: {  	p2 =	seq.s32 s10, $0x1;
	s10 =	sld [smem:$0x3FB6]  }
0x3d: {  	_ =	shalt  }
0x3e: {  	_ =	shalt  }
0x3f: {  	_ =	shalt  }
0x40: {  	_ =	shalt  }
0x41: {  	_ =	shalt  }
0x42: {  	_ =	shalt  }
0x43: {  	_ =	shalt  }
0x44: {  	_ =	shalt  }
0x45: {  	_ =	shalt  }
0x46: {  	_ =	shalt  }
0x47: {  	_ =	shalt  }
0x48: {  	_ =	shalt  }
0x49: {  	_ =	shalt  }
0x4a: {  	_ =	shalt  }
0x4b: {  	_ =	shalt  }
0x4c: {  	_ =	shalt  }
0x4d: {  	_ =	shalt  }
0x4e: {  	_ =	shalt  }
0x4f: {  	_ =	shalt  }
0x50: {  	_ =	shalt  }
0x51: {  	_ =	shalt  }
0x52: {  	_ =	shalt  }
0x53: {  	_ =	shalt  }
0x54: {  	_ =	shalt  }
0x55: {  	_ =	shalt  }
0x56: {  	_ =	shalt  }
0x57: {  	_ =	shalt  }
0x58: {  	_ =	shalt  }
0x59: {  	_ =	shalt  }
0x5a: {  	_ =	shalt  }
0x5b: {  	_ =	shalt  }
0x5c: {  	_ =	shalt  }
0x5d: {  	_ =	shalt  }
0x5e: {  	_ =	shalt  }
0x5f: {  	_ =	shalt  }
0x60: {  	_ =	shalt  }
0x61: {  	_ =	shalt  }
0x62: {  	_ =	shalt  }
0x63: {  	_ =	shalt  }
0x64: {  	_ =	shalt  }
0x65: {  	_ =	shalt  }
0x66: {  	_ =	shalt  }
0x67: {  	_ =	shalt  }
0x68: {  	_ =	shalt  }
0x69: {  	_ =	shalt  }
0x6a: {  	_ =	shalt  }
0x6b: {  	_ =	shalt  }
0x6c: {  	_ =	shalt  }
0x6d: {  	_ =	shalt  }
0x6e: {  	_ =	shalt  }
0x6f: {  	_ =	shalt  }
0x70: {  	_ =	shalt  }
0x71: {  	_ =	shalt  }
0x72: {  	_ =	shalt  }
0x73: {  	_ =	shalt  }
0x74: {  	_ =	shalt  }
0x75: {  	_ =	shalt  }
0x76: {  	_ =	shalt  }
0x77: {  	_ =	shalt  }
0x78: {  	_ =	shalt  }
0x79: {  	_ =	shalt  }
0x7a: {  	_ =	shalt  }
0x7b: {  	_ =	shalt  }
0x7c: {  	_ =	shalt  }
0x7d: {  	_ =	shalt  }
0x7e: {  	_ =	shalt  }
0x7f: {  	_ =	shalt  }
0x80: {  	_ =	shalt  }
0x81: {  	_ =	shalt  }
0x82: {  	_ =	shalt  }
0x83: {  	_ =	shalt  }
0x84: {  	_ =	shalt  }
0x85: {  	_ =	shalt  }
0x86: {  	_ =	shalt  }
0x87: {  	_ =	shalt  }
.Lfunc_end0:
.L_simem_size_0:
called_computation.2_lowered:
.L_overlay_start_0:
0x88: {  	s2 =	sld [smem:$0x3FD9]  }
0x89: {  	s3 =	sld [smem:$0x3FFE];
	_ =	sdelay $0x1  }
0x8a: {  	s1 =	srdreg.scid  }
0x8b: {  	s0 =	sand.u32 $0x1, s1  }
0x8c: {  	s17 =	sshll.u32 s0, $0xA;
	s2 =	sadd.s32 s3, s2  }
0x8d: {  	s2 =	sadd.s32 s2, s17  }
0x8e: {  	[smem:$0x3FC2] =	sst s2  }
0x8f: {  	_ = 	snop  }
0x90: {  	s2 =	sld [smem:$0x3FD0];
	(tm) =	ssettm $0x1  }
0x91: {  	s18 =	sld [smem:$0x3FFB];
	_ =	sdelay $0x3  }
0x92: {  	_ =	strace s18  }
0x93: {  	s3 =	sld [smem:$0x3FFC];
	_ =	sdelay $0x3  }
0x94: {  	_ =	strace s3  }
0x95: {  	s3 =	sld [smem:$0x3FFD];
	_ =	sdelay $0x3  }
0x96: {  	_ =	strace s3  }
0x97: {  	_ =	strace $0x8FFFFFFF  }
0x98: {  	s19 =	sld [smem:$0x3FDB];
	_ =	sdelay $0x1  }
0x99: {  	s4 =	simm.s32 $_scs_section_size  }
0x9a: {  	s5 =	simm.s32 $_size__tile_overlayer_lowered;
	s6 =	simm.s32 $_tile_overlayer_lowered  }
0x9b: {  	s22 =	simm.s32 $0x1BFF;
	s21 =	sshll.u32 s6, $0x1;
	s3 =	sadd.s32 s4, s19  }
0x9c: {  	s7 =	simm.s32 $0x0;
	s20 =	sshll.u32 s5, $0x1;
	s5 =	sadd.s32 s21, s3  }
0x9d: {  	[timem:s7], [sflag:s22] =	dma.local [hbm:s5], s20  }
0x9e: {  	_ =	swait.ge [sflag:s22], s20  }
0x9f: {  	s4 =	ssub.s32 $0x0, s20;
	[sflag:s22] =	ssyncset.done $0x0  }
0xa0: {  	[sflag:s22] =	ssyncadd.s32 s4;
	_ =	sdelay $0x1  }
0xa1: {  	s23 =	simm.s32 $0x1B8B  }
0xa2: {  	_ =	swait.ge [sflag:s23], $0x1  }
0xa3: {  	[sflag:s23] =	ssyncset.done $0x0  }
0xa4: {  	s25 =	simm.s32 $0x1B8E;
	s24 =	sld [smem:$0x3FFE];
	[sflag:s23] =	ssyncadd.s32 $0xFFFFFFFF  }
0xa5: {  	s26 =	simm.s32 $execute0_lowered;
	[smem:$0x3FD2] =	sst s25  }
0xa6: {  	s5 =	sshll.u32 s26, $0x1;
	_ =	strace $0x8000004C;
	[dreg:$0x1] =	wrdreg $0xFFFFFFFF  }
0xa7: {  	s28 =	simm.s32 $_size_execute0_lowered;
	s3 =	sadd.s32 s3, s5;
	[dreg:$0x0] =	wrdreg $0x0  }
0xa8: {  	s5 =	sshll.u32 s28, $0x1;
	[dreg:$0x2] =	wrdreg s3  }
0xa9: {  	[dreg:$0x3] =	wrdreg s5  }
0xaa: {  	[dreg:$0x4] =	wrdreg $0xC0  }
0xab: {  	_ =	task [dreg:s7], $0x5FFFF  }
0xac: {  	[dreg:$0x1] =	wrdreg $0xFFFFFFFF  }
0xad: {  	[dreg:$0x0] =	wrdreg $0x60  }
0xae: {  	[dreg:$0x2] =	wrdreg s24  }
0xaf: {  	[dreg:$0x3] =	wrdreg s2  }
0xb0: {  	[dreg:$0x4] =	wrdreg $0x86800  }
0xb1: {  	[dreg:$0x5] =	wrdreg $0x5F000  }
0xb2: {  	[dreg:$0x6] =	wrdreg $0x9  }
0xb3: {  	_ =	task.clear_ibuf [dreg:s7], $0x7FFFF;
	_ =	strace $0x9000004C  }
0xb4: {  	s29 =	simm.s32 $0x9;
	_ =	strace $0x8000004E  }
0xb5: {  	_ =	swait.ge [sflag:s29], $0x1  }
0xb6: {  	[sflag:s29] =	ssyncadd.s32 $0xFFFFFFFF  }
0xb7: {  	_ =	strace $0x9000004E  }
0xb8: {  	_ =	sfence  }
0xb9: {  	s30 =	sld [smem:$0x0];
	_ =	sdelay $0x2  }
0xba: {  	s31 =	sshll.u32 s1, $0xD;
	s1 =	sshrl.u32 s1, $0x2  }
0xbb: {  	s3 =	sand.u32 $0x4000, s31;
	s1 =	sadd.s32 s1, s30  }
0xbc: {  	s0 =	sor.u32 s3, s0;
	s1 =	sshll.u32 s1, $0x11  }
0xbd: {  	s0 =	sor.u32 s1, s0  }
0xbe: {  	s0 =	sadd.s32 $0x8F2B, s0  }
0xbf: {  	[sflag:s0] =	ssyncadd.remote.s32 $0x1  }
0xc0: {  	_ =	sfence.sel $0xFFFF  }
0xc1: {  	[dreg:$0x0] =	wrdreg $0xFFFFFFFF;
	(pc) =	sbr.abs _section_cstart, $3  }
0xc2: {  	[dreg:$0x1] =	wrdreg $0xFFFFFFFF  }
0xc3: {  	_ =	task.clear_ibuf [dreg:s7], $0x2FFFF;
	_ =	strace $0x9FFFFFFF  }
0xc4: {  	(tm) =	ssettm $0x7FFFFFFF  }
0xc5: {  	_ =	shalt  }
tec
execute0_lowered:
.L_overlay_start_1:
0x0: {  	(tag) =	ssettag $0x1  }
0x1: {  	s5 =	rddreg [dreg:$0x0]  }
0x2: {  	s6 =	rddreg [dreg:$0x1]  }
0x3: {  	s2 =	rddreg [dreg:$0x2]  }
0x4: {  	s3 =	rddreg [dreg:$0x3]  }
0x5: {  	s0 =	stileid.u32;
	s8 =	srdreg.scid  }
0x6: {  	s1 =	rddreg [dreg:$0x4];
	s4 =	simm.s32 $0x0;
	s18 =	simm.s32 $0x80  }
0x7: {  	s19 =	simm.s32 $0x4F00;
	s20 =	simm.s32 $0x5700;
	s21 =	simm.s32 $0x2800  }
0x8: {  	s22 =	simm.s32 $0x1;
	s23 =	simm.s32 $0x2;
	s24 =	simm.s32 $0x0  }
0x9: {  	s7 =	smul.u32 $0x2780, s0;
	s8 =	sand.u32 $0x1, s8;
	[smem:$0x7FF] =	sst s4  }
0xa: {  	s12 =	sadd.s32 $0x2C00, s5;
	s15 =	sshll.u32 s0, $0x1;
	s28 =	sshll.u32 s0, $0x6  }
0xb: {  	p0 =	sgt.u32 s0, $0x1;
	s10 =	smul.u32 $0x27800, s8;
	_ =	strace $0x8000004D  }
0xc: {  	s13 =	ssub.s32 $0x2, s8;
	s8 =	sor.u32 s8, s15;
	s9 =	sshrl.u32 s7, $0x3  }
0xd: {  	s14 =	sshrl.u32 s13, $0x1;
	s26 =	sadd.s32 s7, s2;
	s15 =	smul.u32 $0x2700, s8  }
0xe: {  	s17 =	sadd.s32 s7, s3;
	s29 =	smul.u32 $0x4E0, s8;
	s8 =	sshll.u32 s8, $0x4  }
0xf: {  	s11 =	sadd.s32 s9, s5;
	s10 =	sadd.s32 s7, s10;
	s13 =	ssub.s32 s13, s14  }
0x10: {  	s31 =	sadd.s32 s8, s12;
	s14 =	sshrl.u32 s26, $0x3;
	s10 =	sshrl.u32 s10, $0x3  }
0x11: {  	s30 =	sshrl.u32 s15, $0x3;
	s7 =	sadd.s32 $0x16600, s11;
	s8 =	sadd.s32 s12, s29  }
0x12: {  	s11 =	sadd.s32 $0x13840, s31;
	s13 =	smax.u32 s13, $0x1;
	s15 =	simm.s32 $0x3  }
0x13: {  	s16 =	sadd.s32 s10, s5;
	s5 =	sadd.s32 s6, s9;
	s10 =	sadd.s32 s12, s30  }
0x14: {  	s6 =	sor.u32 $0x1C03, s28;
	s9 =	sadd.s32 $0x9C40, s10;
	s10 =	sadd.s32 $0x9C00, s31  }
0x15: {  	s12 =	sadd.s32 $0x1B600, s16;
	s16 =	sshrl.u32 s17, $0x3;
	s17 =	simm.s32 $0x2780  }
.LBB2_1:
0x16: {  	[spmem:s14], [sflag:s6] =	dma.local [hbm:s5], $0x4F0  }
0x17: {  	_ =	swait.ge [sflag:s15], $0x4F0  }
0x18: {  	[sflag:s15] =	ssyncset.done $0x0  }
0x19: {  	[sflag:s15] =	ssyncadd.s32 $0xFFFFFB10  }
0x1a: {  	[spmem:s16], [sflag:s6] =	dma.local [hbm:s7], $0x4F0  }
0x1b: {  	_ =	swait.ge [sflag:s15], $0x4F0  }
0x1c: {  	[sflag:s15] =	ssyncset.done $0x0  }
0x1d: {  	[sflag:s15] =	ssyncadd.s32 $0xFFFFFB10  }
0x1e: {  	[tilespmem:s4], [sflag:$0x3] =	stream.linear.gather [hbm4b:s8+s4], $0x2700, $0x38;
	[tilespmem:$0xAE00] =	vst v63  }
0x1f: {  	_ =	swait.ge [sflag:s15], $0x2700  }
0x20: {  	[sflag:s15] =	ssyncset.done $0x0  }
0x21: {  	[sflag:s15] =	ssyncadd.s32 $0xFFFFD900  }
0x22: {  	[tilespmem:s17], [sflag:$0x3] =	stream.linear.gather [hbm4b:s9+s4], $0x2700, $0x38;
	[tilespmem:$0xAE00] =	vst v63  }
0x23: {  	_ =	swait.ge [sflag:s15], $0x2700  }
0x24: {  	[sflag:s15] =	ssyncset.done $0x0  }
0x25: {  	s25 =	simm.s32 @!p0 $0x0;
	s26 =	simm.s32 @!p0 $0x2700;
	[sflag:s15] =	ssyncadd.s32 $0xFFFFD900  }
0x26: {  	[tilespmem:s26], [sflag:$0x3] =	stream.linear.gather @!p0 [hbm4b:s10+s25], $0x80, $0x38;
	[tilespmem:$0xAE00] =	vst v63  }
0x27: {  	s26 =	simm.s32 @!p0 $0x3  }
0x28: {  	_ =	swait.ge @!p0 [sflag:s26], $0x80  }
0x29: {  	[sflag:s26] =	ssyncset.done @!p0 $0x0  }
0x2a: {  	s28 =	simm.s32 @!p0 $0x4E80;
	[sflag:s26] =	ssyncadd.s32 @!p0 $0xFFFFFF80  }
0x2b: {  	[tilespmem:s28], [sflag:$0x3] =	stream.linear.gather @!p0 [hbm4b:s11+s25], $0x80, $0x38;
	[tilespmem:$0xAE00] =	vst v63  }
0x2c: {  	_ =	swait.ge @!p0 [sflag:s26], $0x80  }
0x2d: {  	[sflag:s26] =	ssyncset.done @!p0 $0x0  }
0x2e: {  	[sflag:s26] =	ssyncadd.s32 @!p0 $0xFFFFFF80  }
0x2f: {  	[bflag:$0x0] =	sbarrier.arrive $0xFFFF  }
0x30: {  	[tilespmem:s19], [sflag:$0x3] =	stream.indirect.gather [spmem:s3], $0x10, s4, s18, $0xb8;
	[tilespmem:$0xAE00] =	vst v63  }
0x31: {  	_ =	swait.ge [sflag:s15], $0x800  }
0x32: {  	[sflag:s15] =	ssyncset.done $0x0  }
0x33: {  	[sflag:s15] =	ssyncadd.s32 $0xFFFFF800  }
0x34: {  	[spmem:s2] =	stream.indirect.scatter.add.f32 [tilespmem:s19], [sflag:$0x1], $0x10, s17, s18, $0xb8;
	[tilespmem:$0xAE00] =	vst v63  }
0x35: {  	_ = 	snop  }
0x36: {  	[tilespmem:s20], [sflag:$0x3] =	stream.indirect.gather [spmem:s3], $0x10, s18, s18, $0xb8;
	[tilespmem:$0xAE00] =	vst v63  }
0x37: {  	_ =	swait.ge [sflag:s15], $0x800  }
0x38: {  	[sflag:s15] =	ssyncset.done $0x0  }
0x39: {  	[sflag:s15] =	ssyncadd.s32 $0xFFFFF800  }
0x3a: {  	[spmem:s2] =	stream.indirect.scatter.add.f32 [tilespmem:s20], [sflag:$0x2], $0x10, s21, s18, $0xb8;
	[tilespmem:$0xAE00] =	vst v63  }
0x3b: {  	_ =	swait.ge [sflag:s22], $0x800  }
0x3c: {  	[sflag:s22] =	ssyncset.done $0x0  }
0x3d: {  	s29 =	simm.s32 $0x100;
	[sflag:s22] =	ssyncadd.s32 $0xFFFFF800  }
0x3e: {  	[tilespmem:s19], [sflag:$0x3] =	stream.indirect.gather [spmem:s3], $0x10, s29, s18, $0xb8;
	[tilespmem:$0xAE00] =	vst v63  }
0x3f: {  	_ =	swait.ge [sflag:s15], $0x800  }
0x40: {  	[sflag:s15] =	ssyncset.done $0x0  }
0x41: {  	s30 =	simm.s32 $0x2880;
	[sflag:s15] =	ssyncadd.s32 $0xFFFFF800  }
0x42: {  	[spmem:s2] =	stream.indirect.scatter.add.f32 [tilespmem:s19], [sflag:$0x1], $0x10, s30, s18, $0xb8;
	[tilespmem:$0xAE00] =	vst v63  }
0x43: {  	_ =	swait.ge [sflag:s23], $0x800  }
0x44: {  	[sflag:s23] =	ssyncset.done $0x0  }
0x45: {  	s31 =	simm.s32 $0x180;
	[sflag:s23] =	ssyncadd.s32 $0xFFFFF800  }
0x46: {  	[tilespmem:s20], [sflag:$0x3] =	stream.indirect.gather [spmem:s3], $0x10, s31, s18, $0xb8;
	[tilespmem:$0xAE00] =	vst v63  }
0x47: {  	_ =	swait.ge [sflag:s15], $0x800  }
0x48: {  	[sflag:s15] =	ssyncset.done $0x0  }
0x49: {  	s25 =	simm.s32 $0xFFFF6C00;
	s26 =	simm.s32 $0x2900;
	[sflag:s15] =	ssyncadd.s32 $0xFFFFF800  }
.LBB2_2:
0x4a: {  	[spmem:s2] =	stream.indirect.scatter.add.f32 [tilespmem:s20], [sflag:$0x2], $0x10, s26, s18, $0xb8;
	[tilespmem:$0xAE00] =	vst v63  }
0x4b: {  	s26 =	smov.u32 s25  }
0x4c: {  	p1 =	sne.s32 s25, $0xFFFFFC00;
	s25 =	sadd.s32 $0x400, s25;
	_ =	swait.ge [sflag:s22], $0x800  }
0x4d: {  	s26 =	sshra.s32 s26, $0x2;
	[sflag:s22] =	ssyncset.done $0x0  }
0x4e: {  	s28 =	sadd.s32 $0x2700, s26;
	[sflag:s22] =	ssyncadd.s32 $0xFFFFF800  }
0x4f: {  	[tilespmem:s19], [sflag:$0x3] =	stream.indirect.gather [spmem:s3], $0x10, s28, s18, $0xb8;
	[tilespmem:$0xAE00] =	vst v63  }
0x50: {  	_ =	swait.ge [sflag:s15], $0x800  }
0x51: {  	[sflag:s15] =	ssyncset.done $0x0  }
0x52: {  	s28 =	sadd.s32 $0x4E80, s26;
	[sflag:s15] =	ssyncadd.s32 $0xFFFFF800  }
0x53: {  	[spmem:s2] =	stream.indirect.scatter.add.f32 [tilespmem:s19], [sflag:$0x1], $0x10, s28, s18, $0xb8;
	[tilespmem:$0xAE00] =	vst v63  }
0x54: {  	_ =	swait.ge [sflag:s23], $0x800  }
0x55: {  	[sflag:s23] =	ssyncset.done $0x0  }
.Ltmp0:
0x56: {  	s28 =	sadd.s32 $0x2780, s26;
	[sflag:s23] =	ssyncadd.s32 $0xFFFFF800;
	(pc) =	sbr.rel @p1 .LBB2_2-.Ltmp0, $4  }
0x57: {  	[tilespmem:s20], [sflag:$0x3] =	stream.indirect.gather [spmem:s3], $0x10, s28, s18, $0xb8;
	[tilespmem:$0xAE00] =	vst v63  }
0x58: {  	_ =	swait.ge [sflag:s15], $0x800  }
0x59: {  	[sflag:s15] =	ssyncset.done $0x0  }
0x5a: {  	s26 =	sadd.s32 $0x4F00, s26;
	[sflag:s15] =	ssyncadd.s32 $0xFFFFF800  }
0x5b: {  	[spmem:s2] =	stream.indirect.scatter.add.f32 [tilespmem:s20], [sflag:$0x2], $0x10, s26, s18, $0xb8;
	[tilespmem:$0xAE00] =	vst v63  }
0x5c: {  	_ =	swait.ge [sflag:s22], $0x800  }
0x5d: {  	[sflag:s22] =	ssyncset.done $0x0  }
0x5e: {  	[sflag:s22] =	ssyncadd.s32 $0xFFFFF800  }
0x5f: {  	_ =	swait.ge [sflag:s23], $0x800  }
0x60: {  	s25 =	simm.s32 @!p0 $0x80;
	[sflag:s23] =	ssyncset.done $0x0  }
0x61: {  	s26 =	simm.s32 @!p0 $0x2700;
	s28 =	simm.s32 @!p0 $0x4F00;
	[sflag:s23] =	ssyncadd.s32 $0xFFFFF800  }
0x62: {  	[tilespmem:s28], [sflag:$0x3] =	stream.indirect.gather @!p0 [spmem:s3], $0x10, s26, s25, $0xb8;
	[tilespmem:$0xAE00] =	vst v63  }
0x63: {  	s26 =	simm.s32 @!p0 $0x3  }
0x64: {  	_ =	swait.ge @!p0 [sflag:s26], $0x800  }
0x65: {  	[sflag:s26] =	ssyncset.done @!p0 $0x0  }
0x66: {  	s29 =	simm.s32 @!p0 $0x4E80;
	[sflag:s26] =	ssyncadd.s32 @!p0 $0xFFFFF800  }
0x67: {  	[spmem:s2] =	stream.indirect.scatter.add.f32 @!p0 [tilespmem:s28], [sflag:$0x3], $0x10, s29, s25, $0xb8;
	[tilespmem:$0xAE00] =	vst v63  }
0x68: {  	_ =	swait.ge @!p0 [sflag:s26], $0x800  }
0x69: {  	s24 =	sadd.s32 $0x1, s24;
	[sflag:s26] =	ssyncset.done @!p0 $0x0  }
0x6a: {  	p1 =	sne.s32 s24, s13;
	[sflag:s26] =	ssyncadd.s32 @!p0 $0xFFFFF800  }
.Ltmp1:
0x6b: {  	[bflag:$0x0] =	sbarrier.arrive $0xFFFF;
	(pc) =	sbr.rel @p1 .LBB2_1-.Ltmp1, $4  }
0x6c: {  	[hbm:s12], [sflag:s6] =	dma.local [spmem:s14], $0x4F0  }
0x6d: {  	_ =	swait.ge [sflag:s15], $0x4F0  }
0x6e: {  	[sflag:s15] =	ssyncset.done $0x0  }
0x6f: {  	[sflag:s15] =	ssyncadd.s32 $0xFFFFFB10  }
0x70: {  	_ =	sfence.sel $0x180000  }
0x71: {  	[bflag:$0x0] =	sbarrier.arrive $0xFFFF  }
0x72: {  	p0 =	sne.s32 s0, $0x0;
	_ =	strace $0x9000004D  }
0x73: {  	s0 =	sadd.s32 @!p0 $0x100000, s1;
	[bflag:$0x2] =	sbarrier.arrive $0xFFFF  }
0x74: {  	[sflag:s0] =	ssyncadd.tile.s32 @!p0 $0x1;
	_ =	shalt  }
.Lfunc_end2:
_tile_overlayer_lowered:
.L_overlay_start_2:
0x75: {  	(tag) =	ssettag $0x2  }
0x76: {  	s0 =	rddreg [dreg:$0x0];
	s2 =	stileid.u32  }
0x77: {  	s1 =	rddreg [dreg:$0x1];
	p0 =	sne.s32 s2, $0x0  }
0x78: {  	s3 =	rddreg [dreg:$0x2];
	[bflag:$0x3] =	sbarrier.arrive $0xFFFF;
	s2 =	simm.s32 @!p0 $0x1C03  }
0x79: {  	[timem:s3], [sflag:s2] =	dma.local @!p0 [hbm:s0], s1  }
0x7a: {  	s0 =	simm.s32 @!p0 $0x3  }
0x7b: {  	_ =	swait.ge @!p0 [sflag:s0], s1  }
0x7c: {  	s1 =	ssub.s32 @!p0 $0x0, s1;
	[sflag:s0] =	ssyncset.done @!p0 $0x0  }
0x7d: {  	[sflag:s0] =	ssyncadd.s32 @!p0 s1  }
0x7e: {  	[bflag:$0x3] =	sbarrier.arrive $0xFFFF  }
0x7f: {  	_ =	shalt  }

// kernel: kernel.8.cloned.1.call-start
scs
__scs_entry_jumppad:
0x0: {  	(pc) =	sbr.rel $0x88, $3  }
0x1: {  	(tag) =	ssettag $0x0;
	lr =	simm.s32 $0x1  }
0x2: {  	[smem:$0x3F9B] =	sst lr;
	_ =	strace $0xD0000000  }
0x3: {  	_ = 	snop  }
0x4: {  	_ = 	snop  }
0x5: {  	_ = 	snop  }
0x6: {  	_ = 	snop  }
0x7: {  	_ = 	snop  }
__scs_overlays_trampoline_lowered:
0x8: {  	[smem:$0x3FAA] =	sst s0  }
0x9: {  	[smem:$0x3FAB] =	sst s1  }
0xa: {  	[smem:$0x3FAC] =	sst s2  }
0xb: {  	[smem:$0x3FAD] =	sst s3  }
0xc: {  	[smem:$0x3FAE] =	sst s4  }
0xd: {  	[smem:$0x3FAF] =	sst s5  }
0xe: {  	[smem:$0x3FB0] =	sst s6  }
0xf: {  	[smem:$0x3FB1] =	sst s7  }
0x10: {  	[smem:$0x3FB2] =	sst s8  }
0x11: {  	[smem:$0x3FB3] =	sst s9;
	s0 =	simm.s32 @!p0 $0x0  }
0x12: {  	s1 =	sld [smem:$0x3F99];
	s0 =	simm.s32 @p0 $0x1  }
0x13: {  	[smem:$0x3FB4] =	sst s0;
	s0 =	simm.s32 @!p1 $0x0  }
0x14: {  	s2 =	sld [smem:$0x3F98];
	s0 =	simm.s32 @p1 $0x1  }
0x15: {  	[smem:$0x3FB5] =	sst s0;
	s0 =	simm.s32 @!p2 $0x0  }
0x16: {  	s3 =	sld [smem:$0x3FDB];
	s0 =	simm.s32 @p2 $0x1  }
0x17: {  	s4 =	simm.s32 $0x1BF5;
	[smem:$0x3FB7] =	sst s0  }
0x18: {  	s0 =	sld [smem:$0x3F9A];
	_ =	swait.ge [sflag:s4], $0x0  }
0x19: {  	s7 =	sld [smem:$0x3F9B]  }
0x1a: {  	s8 =	sadd.s32 $0xFFFFE003, lr  }
0x1b: {  	s9 =	sadd.s32 $0xFFFFFEF7, lr;
	s5 =	simm.s32 $0xFFFFFFFF;
	p2 =	slt.u32 s8, $0xFFFFF086  }
0x1c: {  	p1 =	slt.u32 s9, $0xF7A;
	s5 =	simm.s32 @!p2 $0x0  }
0x1d: {  	s5 =	simm.s32 @p1 $0x1;
	p0 =	seq.s32 s7, s2  }
0x1e: {  	s7 =	smul.u32 @!p0 $0xF7A, s2;
	p2 =	seq.s32 @!p0 s5, $0x0  }
0x1f: {  	s9 =	smul.u32 $0xF7A, s1;
	s8 =	simm.s32 @!p0 $0x1BF5;
	p2 =	por !p2, p0  }
0x20: {  	[sflag:s8] =	ssyncset.s32 @!p0 $0xFFFFF086;
	s6 =	sadd.s32 @!p0 s3, s7;
	s7 =	simm.s32 @!p0 $0x108  }
0x21: {  	s3 =	sadd.s32 s3, s9;
	s6 =	sadd.s32 @!p0 $0x88, s6;
	s7 =	simm.s32 @p2 $0x1082  }
0x22: {  	[simem:s7], [sflag:s8] =	dma.local @!p0 [hbm:s6], $0xF7A  }
0x23: {  	s9 =	sor.u32 $0xD0000000, s2;
	s6 =	simm.s32 $0x108;
	_ =	swait.ge @!p0 [sflag:s8], $0x0  }
0x24: {  	s3 =	sadd.s32 $0x88, s3;
	s6 =	simm.s32 @!p1 $0x1082;
	[sflag:s4] =	ssyncset.s32 $0xFFFFF086  }
0x25: {  	[simem:s6], [sflag:s4] =	dma.local [hbm:s3], $0xF7A  }
0x26: {  	[smem:$0x3F9B] =	sst s1;
	(tag) =	ssettag s2;
	_ =	strace s9  }
0x27: {  	s1 =	sld [smem:$0x3FAB]  }
0x28: {  	s2 =	sld [smem:$0x3FAC]  }
0x29: {  	s4 =	sld [smem:$0x3FAE]  }
0x2a: {  	p0 =	seq.s32 s5, $0x0;
	s5 =	sld [smem:$0x3FAF]  }
0x2b: {  	s6 =	sld [smem:$0x3FB0]  }
0x2c: {  	s7 =	sld [smem:$0x3FB1]  }
0x2d: {  	s3 =	simm.s32 $0x108;
	s8 =	sld [smem:$0x3FB2]  }
0x2e: {  	s3 =	simm.s32 @!p0 $0x1082;
	s9 =	sld [smem:$0x3FB3]  }
0x2f: {  	lr =	sadd.s32 s0, s3;
	s0 =	sld [smem:$0x3FAA]  }
0x30: {  	s3 =	sld [smem:$0x3FAD]  }
0x31: {  	[smem:$0x3FB6] =	sst s10  }
0x32: {  	s10 =	sld [smem:$0x3FB4];
	_ =	sdelay $0x3  }
0x33: {  	p0 =	seq.s32 s10, $0x1;
	s10 =	sld [smem:$0x3FB6];
	_ =	sdelay $0x3  }
0x34: {  	[smem:$0x3FB6] =	sst s10  }
0x35: {  	s10 =	sld [smem:$0x3FB5];
	_ =	sdelay $0x3  }
0x36: {  	p1 =	seq.s32 s10, $0x1;
	s10 =	sld [smem:$0x3FB6];
	_ =	sdelay $0x3  }
0x37: {  	[smem:$0x3FB6] =	sst s10  }
0x38: {  	s10 =	sld [smem:$0x3FB7]  }
0x39: {  	_ = 	snop;
	(pc) =	sbr.ind lr, $3  }
0x3a: {  	_ = 	snop  }
0x3b: {  	_ = 	snop  }
0x3c: {  	p2 =	seq.s32 s10, $0x1;
	s10 =	sld [smem:$0x3FB6]  }
0x3d: {  	_ =	shalt  }
0x3e: {  	_ =	shalt  }
0x3f: {  	_ =	shalt  }
0x40: {  	_ =	shalt  }
0x41: {  	_ =	shalt  }
0x42: {  	_ =	shalt  }
0x43: {  	_ =	shalt  }
0x44: {  	_ =	shalt  }
0x45: {  	_ =	shalt  }
0x46: {  	_ =	shalt  }
0x47: {  	_ =	shalt  }
0x48: {  	_ =	shalt  }
0x49: {  	_ =	shalt  }
0x4a: {  	_ =	shalt  }
0x4b: {  	_ =	shalt  }
0x4c: {  	_ =	shalt  }
0x4d: {  	_ =	shalt  }
0x4e: {  	_ =	shalt  }
0x4f: {  	_ =	shalt  }
0x50: {  	_ =	shalt  }
0x51: {  	_ =	shalt  }
0x52: {  	_ =	shalt  }
0x53: {  	_ =	shalt  }
0x54: {  	_ =	shalt  }
0x55: {  	_ =	shalt  }
0x56: {  	_ =	shalt  }
0x57: {  	_ =	shalt  }
0x58: {  	_ =	shalt  }
0x59: {  	_ =	shalt  }
0x5a: {  	_ =	shalt  }
0x5b: {  	_ =	shalt  }
0x5c: {  	_ =	shalt  }
0x5d: {  	_ =	shalt  }
0x5e: {  	_ =	shalt  }
0x5f: {  	_ =	shalt  }
0x60: {  	_ =	shalt  }
0x61: {  	_ =	shalt  }
0x62: {  	_ =	shalt  }
0x63: {  	_ =	shalt  }
0x64: {  	_ =	shalt  }
0x65: {  	_ =	shalt  }
0x66: {  	_ =	shalt  }
0x67: {  	_ =	shalt  }
0x68: {  	_ =	shalt  }
0x69: {  	_ =	shalt  }
0x6a: {  	_ =	shalt  }
0x6b: {  	_ =	shalt  }
0x6c: {  	_ =	shalt  }
0x6d: {  	_ =	shalt  }
0x6e: {  	_ =	shalt  }
0x6f: {  	_ =	shalt  }
0x70: {  	_ =	shalt  }
0x71: {  	_ =	shalt  }
0x72: {  	_ =	shalt  }
0x73: {  	_ =	shalt  }
0x74: {  	_ =	shalt  }
0x75: {  	_ =	shalt  }
0x76: {  	_ =	shalt  }
0x77: {  	_ =	shalt  }
0x78: {  	_ =	shalt  }
0x79: {  	_ =	shalt  }
0x7a: {  	_ =	shalt  }
0x7b: {  	_ =	shalt  }
0x7c: {  	_ =	shalt  }
0x7d: {  	_ =	shalt  }
0x7e: {  	_ =	shalt  }
0x7f: {  	_ =	shalt  }
0x80: {  	_ =	shalt  }
0x81: {  	_ =	shalt  }
0x82: {  	_ =	shalt  }
0x83: {  	_ =	shalt  }
0x84: {  	_ =	shalt  }
0x85: {  	_ =	shalt  }
0x86: {  	_ =	shalt  }
0x87: {  	_ =	shalt  }
.Lfunc_end0:
.L_simem_size_0:
called_computation_lowered:
.L_overlay_start_0:
0x88: {  	s2 =	sld [smem:$0x3FD9]  }
0x89: {  	s3 =	sld [smem:$0x3FFE];
	_ =	sdelay $0x1  }
0x8a: {  	s1 =	srdreg.scid  }
0x8b: {  	s0 =	sand.u32 $0x1, s1  }
0x8c: {  	s17 =	sshll.u32 s0, $0xA;
	s2 =	sadd.s32 s3, s2  }
0x8d: {  	s2 =	sadd.s32 s2, s17  }
0x8e: {  	[smem:$0x3FC2] =	sst s2  }
0x8f: {  	_ = 	snop  }
0x90: {  	s2 =	sld [smem:$0x3FD0];
	(tm) =	ssettm $0x1  }
0x91: {  	s18 =	sld [smem:$0x3FFB];
	_ =	sdelay $0x3  }
0x92: {  	_ =	strace s18  }
0x93: {  	s3 =	sld [smem:$0x3FFC];
	_ =	sdelay $0x3  }
0x94: {  	_ =	strace s3  }
0x95: {  	s3 =	sld [smem:$0x3FFD];
	_ =	sdelay $0x3  }
0x96: {  	_ =	strace s3  }
0x97: {  	_ =	strace $0x8FFFFFFF  }
0x98: {  	s19 =	sld [smem:$0x3FDB];
	_ =	sdelay $0x1  }
0x99: {  	s4 =	simm.s32 $_scs_section_size  }
0x9a: {  	s5 =	simm.s32 $_size__tile_overlayer_lowered;
	s6 =	simm.s32 $_tile_overlayer_lowered  }
0x9b: {  	s22 =	simm.s32 $0x1BFF;
	s21 =	sshll.u32 s6, $0x1;
	s3 =	sadd.s32 s4, s19  }
0x9c: {  	s7 =	simm.s32 $0x0;
	s20 =	sshll.u32 s5, $0x1;
	s5 =	sadd.s32 s21, s3  }
0x9d: {  	[timem:s7], [sflag:s22] =	dma.local [hbm:s5], s20  }
0x9e: {  	_ =	swait.ge [sflag:s22], s20  }
0x9f: {  	s4 =	ssub.s32 $0x0, s20;
	[sflag:s22] =	ssyncset.done $0x0  }
0xa0: {  	[sflag:s22] =	ssyncadd.s32 s4;
	_ =	sdelay $0x1  }
0xa1: {  	s23 =	simm.s32 $0x1B8B  }
0xa2: {  	_ =	swait.ge [sflag:s23], $0x1  }
0xa3: {  	[sflag:s23] =	ssyncset.done $0x0  }
0xa4: {  	s25 =	simm.s32 $0x1B8E;
	s24 =	sld [smem:$0x3FFE];
	[sflag:s23] =	ssyncadd.s32 $0xFFFFFFFF  }
0xa5: {  	s26 =	simm.s32 $execute0_lowered;
	[smem:$0x3FD2] =	sst s25  }
0xa6: {  	s5 =	sshll.u32 s26, $0x1;
	_ =	strace $0x80000046;
	[dreg:$0x1] =	wrdreg $0xFFFFFFFF  }
0xa7: {  	s28 =	simm.s32 $_size_execute0_lowered;
	s3 =	sadd.s32 s3, s5;
	[dreg:$0x0] =	wrdreg $0x0  }
0xa8: {  	s5 =	sshll.u32 s28, $0x1;
	[dreg:$0x2] =	wrdreg s3  }
0xa9: {  	[dreg:$0x3] =	wrdreg s5  }
0xaa: {  	[dreg:$0x4] =	wrdreg $0xC0  }
0xab: {  	_ =	task [dreg:s7], $0x5FFFF  }
0xac: {  	[dreg:$0x1] =	wrdreg $0xFFFFFFFF  }
0xad: {  	[dreg:$0x0] =	wrdreg $0x60  }
0xae: {  	[dreg:$0x2] =	wrdreg s24  }
0xaf: {  	[dreg:$0x3] =	wrdreg s2  }
0xb0: {  	[dreg:$0x4] =	wrdreg $0x2F800  }
0xb1: {  	[dreg:$0x5] =	wrdreg $0x9  }
0xb2: {  	_ =	task.clear_ibuf [dreg:s7], $0x6FFFF;
	_ =	strace $0x90000046  }
0xb3: {  	s29 =	simm.s32 $0x9;
	_ =	strace $0x80000048  }
0xb4: {  	_ =	swait.ge [sflag:s29], $0x1  }
0xb5: {  	[sflag:s29] =	ssyncadd.s32 $0xFFFFFFFF  }
0xb6: {  	_ =	strace $0x90000048  }
0xb7: {  	_ =	sfence  }
0xb8: {  	s30 =	sld [smem:$0x0];
	_ =	sdelay $0x2  }
0xb9: {  	s31 =	sshll.u32 s1, $0xD;
	s1 =	sshrl.u32 s1, $0x2  }
0xba: {  	s3 =	sand.u32 $0x4000, s31;
	s1 =	sadd.s32 s1, s30  }
0xbb: {  	s0 =	sor.u32 s3, s0;
	s1 =	sshll.u32 s1, $0x11  }
0xbc: {  	s0 =	sor.u32 s1, s0  }
0xbd: {  	s0 =	sadd.s32 $0x8F2B, s0  }
0xbe: {  	[sflag:s0] =	ssyncadd.remote.s32 $0x1  }
0xbf: {  	_ =	sfence.sel $0xFFFF  }
0xc0: {  	[dreg:$0x0] =	wrdreg $0xFFFFFFFF;
	(pc) =	sbr.abs _section_cstart, $3  }
0xc1: {  	[dreg:$0x1] =	wrdreg $0xFFFFFFFF  }
0xc2: {  	_ =	task.clear_ibuf [dreg:s7], $0x2FFFF;
	_ =	strace $0x9FFFFFFF  }
0xc3: {  	(tm) =	ssettm $0x7FFFFFFF  }
tec
execute0_lowered:
.L_overlay_start_1:
0x0: {  	(tag) =	ssettag $0x1  }
0x1: {  	s5 =	rddreg [dreg:$0x0]  }
0x2: {  	s6 =	rddreg [dreg:$0x1];
	s1 =	srdreg.scid  }
0x3: {  	s0 =	stileid.u32;
	s2 =	rddreg [dreg:$0x2]  }
0x4: {  	s3 =	simm.s32 $0x0;
	s15 =	simm.s32 $0x1;
	s16 =	simm.s32 $0x2  }
0x5: {  	s17 =	simm.s32 $0x0;
	s7 =	sand.u32 $0x1, s1;
	s1 =	rddreg [dreg:$0x3]  }
0x6: {  	s8 =	smul.u32 $0x2780, s0;
	[smem:$0x7FF] =	sst s3;
	s9 =	sadd.s32 $0x2C00, s5  }
0x7: {  	s11 =	sshll.u32 s0, $0x1;
	s30 =	sshll.u32 s0, $0x6;
	p0 =	sgt.u32 s0, $0x1  }
0x8: {  	s4 =	smul.u32 $0x27800, s7;
	_ =	strace $0x80000047;
	s28 =	ssub.s32 $0x2, s7  }
0x9: {  	s7 =	sor.u32 s7, s11;
	s29 =	sshrl.u32 s28, $0x1;
	s12 =	sshrl.u32 s8, $0x3  }
0xa: {  	s13 =	smul.u32 $0x2700, s7;
	s14 =	sadd.s32 s8, s2;
	s7 =	sshll.u32 s7, $0x4  }
0xb: {  	s10 =	sadd.s32 s8, s4;
	s4 =	sadd.s32 $0x16600, s5;
	s11 =	ssub.s32 s28, s29  }
0xc: {  	s10 =	sshrl.u32 s10, $0x3;
	s31 =	sshrl.u32 s13, $0x3;
	s13 =	simm.s32 $0x2780  }
0xd: {  	s10 =	sadd.s32 s10, s5;
	s5 =	sadd.s32 s6, s12;
	s6 =	sor.u32 $0x1C03, s30  }
0xe: {  	s8 =	sadd.s32 s9, s31;
	s9 =	sadd.s32 s7, s9;
	s12 =	simm.s32 $0x3  }
0xf: {  	s7 =	sadd.s32 $0x9C40, s8;
	s8 =	sadd.s32 $0x13840, s9;
	s9 =	sadd.s32 $0x16800, s10  }
0x10: {  	s10 =	smax.u32 s11, $0x1;
	s11 =	sshrl.u32 s14, $0x3;
	s14 =	simm.s32 $0x80  }
.LBB2_1:
0x11: {  	[spmem:s11], [sflag:s6] =	dma.local [hbm:s5], $0x4F0  }
0x12: {  	_ =	swait.ge [sflag:s12], $0x4F0  }
0x13: {  	[sflag:s12] =	ssyncset.done $0x0  }
0x14: {  	[sflag:s12] =	ssyncadd.s32 $0xFFFFFB10  }
0x15: {  	[tilespmem:s3], [sflag:$0x3] =	stream.linear.gather [hbm4b:s7+s3], $0x2700, $0x38;
	[tilespmem:$0x5700] =	vst v63  }
0x16: {  	_ =	swait.ge [sflag:s12], $0x2700  }
0x17: {  	[sflag:s12] =	ssyncset.done $0x0  }
0x18: {  	s18 =	simm.s32 @!p0 $0x0;
	s19 =	simm.s32 @!p0 $0x2700;
	[sflag:s12] =	ssyncadd.s32 $0xFFFFD900  }
0x19: {  	[tilespmem:s19], [sflag:$0x3] =	stream.linear.gather @!p0 [hbm4b:s8+s18], $0x80, $0x38;
	[tilespmem:$0x5700] =	vst v63  }
0x1a: {  	s18 =	simm.s32 @!p0 $0x3  }
0x1b: {  	_ =	swait.ge @!p0 [sflag:s18], $0x80  }
0x1c: {  	[sflag:s18] =	ssyncset.done @!p0 $0x0  }
0x1d: {  	[sflag:s18] =	ssyncadd.s32 @!p0 $0xFFFFFF80  }
0x1e: {  	[tilespmem:s13], [sflag:$0x3] =	stream.linear.gather [hbm4b:s4+s3], $0x800, $0x38;
	[tilespmem:$0x5700] =	vst v63  }
0x1f: {  	_ =	swait.ge [sflag:s12], $0x800  }
0x20: {  	[sflag:s12] =	ssyncset.done $0x0  }
0x21: {  	[sflag:s12] =	ssyncadd.s32 $0xFFFFF800  }
0x22: {  	[bflag:$0x0] =	sbarrier.arrive $0xFFFF  }
0x23: {  	[spmem:s2] =	stream.indirect.scatter.add.f32 [tilespmem:s13], [sflag:$0x1], $0x10, s3, s14, $0xb8;
	[tilespmem:$0x5700] =	vst v63  }
0x24: {  	_ = 	snop  }
0x25: {  	[spmem:s2] =	stream.indirect.scatter.add.f32 [tilespmem:s13], [sflag:$0x2], $0x10, s14, s14, $0xb8;
	[tilespmem:$0x5700] =	vst v63  }
0x26: {  	_ =	swait.ge [sflag:s15], $0x800  }
0x27: {  	[sflag:s15] =	ssyncset.done $0x0  }
0x28: {  	s31 =	simm.s32 $0x100;
	[sflag:s15] =	ssyncadd.s32 $0xFFFFF800  }
0x29: {  	[spmem:s2] =	stream.indirect.scatter.add.f32 [tilespmem:s13], [sflag:$0x1], $0x10, s31, s14, $0xb8;
	[tilespmem:$0x5700] =	vst v63  }
0x2a: {  	_ =	swait.ge [sflag:s16], $0x800  }
0x2b: {  	[sflag:s16] =	ssyncset.done $0x0  }
0x2c: {  	s19 =	simm.s32 $0x180;
	s18 =	simm.s32 $0xFFFF6C00;
	[sflag:s16] =	ssyncadd.s32 $0xFFFFF800  }
.LBB2_2:
0x2d: {  	[spmem:s2] =	stream.indirect.scatter.add.f32 [tilespmem:s13], [sflag:$0x2], $0x10, s19, s14, $0xb8;
	[tilespmem:$0x5700] =	vst v63  }
0x2e: {  	s19 =	smov.u32 s18  }
0x2f: {  	p1 =	sne.s32 s18, $0xFFFFFC00;
	s18 =	sadd.s32 $0x400, s18;
	_ =	swait.ge [sflag:s15], $0x800  }
0x30: {  	s19 =	sshra.s32 s19, $0x2;
	[sflag:s15] =	ssyncset.done $0x0  }
.Ltmp0:
0x31: {  	s20 =	sadd.s32 $0x2700, s19;
	[sflag:s15] =	ssyncadd.s32 $0xFFFFF800;
	(pc) =	sbr.rel @p1 .LBB2_2-.Ltmp0, $4  }
0x32: {  	[spmem:s2] =	stream.indirect.scatter.add.f32 [tilespmem:s13], [sflag:$0x1], $0x10, s20, s14, $0xb8;
	[tilespmem:$0x5700] =	vst v63  }
0x33: {  	_ =	swait.ge [sflag:s16], $0x800  }
0x34: {  	[sflag:s16] =	ssyncset.done $0x0  }
0x35: {  	s19 =	sadd.s32 $0x2780, s19;
	[sflag:s16] =	ssyncadd.s32 $0xFFFFF800  }
0x36: {  	[spmem:s2] =	stream.indirect.scatter.add.f32 [tilespmem:s13], [sflag:$0x2], $0x10, s19, s14, $0xb8;
	[tilespmem:$0x5700] =	vst v63  }
0x37: {  	_ =	swait.ge [sflag:s15], $0x800  }
0x38: {  	[sflag:s15] =	ssyncset.done $0x0  }
0x39: {  	[sflag:s15] =	ssyncadd.s32 $0xFFFFF800  }
0x3a: {  	_ =	swait.ge [sflag:s16], $0x800  }
0x3b: {  	s18 =	simm.s32 @!p0 $0x80;
	[sflag:s16] =	ssyncset.done $0x0  }
0x3c: {  	s19 =	simm.s32 @!p0 $0x2700;
	s20 =	simm.s32 @!p0 $0x2780;
	[sflag:s16] =	ssyncadd.s32 $0xFFFFF800  }
0x3d: {  	[spmem:s2] =	stream.indirect.scatter.add.f32 @!p0 [tilespmem:s20], [sflag:$0x3], $0x10, s19, s18, $0xb8;
	[tilespmem:$0x5700] =	vst v63  }
0x3e: {  	s18 =	simm.s32 @!p0 $0x3  }
0x3f: {  	_ =	swait.ge @!p0 [sflag:s18], $0x800  }
0x40: {  	s17 =	sadd.s32 $0x1, s17;
	[sflag:s18] =	ssyncset.done @!p0 $0x0  }
0x41: {  	p1 =	sne.s32 s17, s10;
	[sflag:s18] =	ssyncadd.s32 @!p0 $0xFFFFF800  }
.Ltmp1:
0x42: {  	[bflag:$0x0] =	sbarrier.arrive $0xFFFF;
	(pc) =	sbr.rel @p1 .LBB2_1-.Ltmp1, $4  }
0x43: {  	[hbm:s9], [sflag:s6] =	dma.local [spmem:s11], $0x4F0  }
0x44: {  	_ =	swait.ge [sflag:s12], $0x4F0  }
0x45: {  	[sflag:s12] =	ssyncset.done $0x0  }
0x46: {  	[sflag:s12] =	ssyncadd.s32 $0xFFFFFB10  }
0x47: {  	_ =	sfence.sel $0x180000  }
0x48: {  	[bflag:$0x0] =	sbarrier.arrive $0xFFFF  }
0x49: {  	p0 =	sne.s32 s0, $0x0;
	_ =	strace $0x90000047  }
0x4a: {  	s0 =	sadd.s32 @!p0 $0x100000, s1;
	[bflag:$0x2] =	sbarrier.arrive $0xFFFF  }
0x4b: {  	[sflag:s0] =	ssyncadd.tile.s32 @!p0 $0x1;
	_ =	shalt  }
.Lfunc_end2:
_tile_overlayer_lowered:
.L_overlay_start_2:
0x4c: {  	(tag) =	ssettag $0x2  }
0x4d: {  	s0 =	rddreg [dreg:$0x0];
	s2 =	stileid.u32  }
0x4e: {  	s1 =	rddreg [dreg:$0x1];
	p0 =	sne.s32 s2, $0x0  }
0x4f: {  	s3 =	rddreg [dreg:$0x2];
	[bflag:$0x3] =	sbarrier.arrive $0xFFFF;
	s2 =	simm.s32 @!p0 $0x1C03  }
0x50: {  	[timem:s3], [sflag:s2] =	dma.local @!p0 [hbm:s0], s1  }
0x51: {  	s0 =	simm.s32 @!p0 $0x3  }
0x52: {  	_ =	swait.ge @!p0 [sflag:s0], s1  }
0x53: {  	s1 =	ssub.s32 @!p0 $0x0, s1;
	[sflag:s0] =	ssyncset.done @!p0 $0x0  }
0x54: {  	[sflag:s0] =	ssyncadd.s32 @!p0 s1  }
0x55: {  	[bflag:$0x3] =	sbarrier.arrive $0xFFFF  }
0x56: {  	_ =	shalt  }

</sc_bundles>
